<compile_context>
chip_gen: v7x
topology: tpu7x:2x2x1
jax: 0.10.2.dev20260603
libtpu: 0.0.44.dev20260713+nightly
codegen_flags: <defaults>
</compile_context>

<pallas_src>
import jax
import jax.numpy as jnp
from jax import lax
from jax.experimental import pallas as pl
from jax.experimental.pallas import tpu as pltpu
from jax.experimental.pallas import tpu_sc as plsc

B = 1024
J = 2048
N = 4096
K = 12
NC = 2
NS = 16
LANES = 16

N_PER_SC = N // NC
B_PER_TILE = B // NS
N_PER_TILE = N_PER_SC // NS
CONN_BLK = 256
N_CHUNK = 32
GROUPS = B // (4 * LANES)
WORDS = B // 4


def _sc_body(t3_hbm, conn_hbm, mem_hbm, out_hbm, addr_sh):
    c = lax.axis_index("c")
    s = lax.axis_index("s")
    lane = lax.iota(jnp.int32, LANES)

    def phase1(inp_v, conn_v, accbuf):
        pltpu.sync_copy(t3_hbm.at[:, pl.ds(s * LANES, LANES)], inp_v)

        def blk_body(blk, _):
            n0 = c * N_PER_SC + blk * CONN_BLK
            pltpu.sync_copy(conn_hbm.at[pl.ds(pl.multiple_of(n0 // LANES, 8), CONN_BLK // LANES), :],
                            conn_v)

            @plsc.parallel_loop(0, CONN_BLK, unroll=4)
            def n_body(nn):
                hi = jnp.zeros((LANES,), jnp.int32)
                lo = jnp.zeros((LANES,), jnp.int32)
                cvec = conn_v[nn >> 4, pl.ds((nn & 15) * LANES, LANES)]
                for k in range(K):
                    wv = inp_v[cvec[k], pl.ds(0, LANES)]
                    if k < 6:
                        hi = hi + (wv << (5 - k))
                    else:
                        lo = lo + (wv << (11 - k))
                accbuf[nn, pl.ds(0, LANES)] = hi
                accbuf[nn, pl.ds(LANES, LANES)] = lo
            pltpu.sync_copy(
                accbuf,
                addr_sh.at[pl.ds((blk & 1) * CONN_BLK, CONN_BLK), blk >> 1, s, :])
            return 0

        lax.fori_loop(0, N_PER_SC // CONN_BLK, blk_body, 0)

    pl.run_scoped(
        phase1,
        pltpu.VMEM((J, LANES), jnp.int32),
        pltpu.VMEM((CONN_BLK // LANES, LANES * LANES), jnp.int32),
        pltpu.VMEM((CONN_BLK, 2 * LANES), jnp.int32),
    )
    plsc.subcore_barrier()

    rbase = c * (N_PER_SC // 4) + s * N_CHUNK

    def phase2(mem_v, addr_v, out_v):
        def chunk_body(j, _):
            pltpu.sync_copy(
                mem_hbm.at[pl.ds(pl.multiple_of(rbase + j * 8, 8), 8), :],
                mem_v)
            pltpu.sync_copy(
                addr_sh.at[pl.ds(s * N_CHUNK + j * 8, 8), :, :, :], addr_v)

            @plsc.parallel_loop(0, N_CHUNK, unroll=2)
            def i_body(i):
                row = jnp.zeros((LANES,), jnp.int32) + (i >> 2)
                msk = 255 << ((i & 3) * 8)
                tgt = 2 << ((i & 3) * 8)

                @plsc.parallel_loop(0, GROUPS, unroll=4)
                def g_body(g):
                    hi = addr_v[i >> 2, i & 3, g, pl.ds(0, LANES)]
                    lo = addr_v[i >> 2, i & 3, g, pl.ds(LANES, LANES)]
                    out_w = jnp.zeros((LANES,), jnp.int32)
                    for bi in range(4):
                        h = (hi >> (8 * bi)) & 63
                        l = (lo >> (8 * bi)) & 63
                        a = (h << 6) | l
                        wv = plsc.load_gather(mem_v, [row, a])
                        r = ((wv & msk) == tgt).astype(jnp.int32)
                        out_w = out_w | (r << (8 * bi))
                    out_v[i & 3, i >> 2, pl.ds(g * LANES, LANES)] = out_w
            pltpu.sync_copy(
                out_v,
                out_hbm.at[c, :, pl.ds(s * N_CHUNK + j * 8, 8), :])
            return 0

        lax.fori_loop(0, N_PER_TILE // N_CHUNK, chunk_body, 0)

    pl.run_scoped(
        phase2,
        pltpu.VMEM((8, 4096), jnp.int32),
        pltpu.VMEM((8, 4, GROUPS, 2 * LANES), jnp.int32),
        pltpu.VMEM((4, 8, WORDS), jnp.int32),
    )


def _sc_call(t3, conn, mem):
    mesh = plsc.VectorSubcoreMesh(core_axis_name="c", subcore_axis_name="s")
    return pl.kernel(
        _sc_body,
        out_type=jax.ShapeDtypeStruct((NC, 4, N_PER_SC // 4, WORDS), jnp.int32),
        name="ramlayer_sc",
        mesh=mesh,
        compiler_params=pltpu.CompilerParams(
            needs_layout_passes=False,
            use_tc_tiling_on_sc=False,
        ),
        scratch_types=[
            pltpu.VMEM_SHARED((N_PER_SC // 4, 4, NS, 2 * LANES), jnp.int32),
        ],
    )(t3, conn, mem)


def _pack4(p0, p1, p2, p3):
    return (p0.astype(jnp.int32) | (p1.astype(jnp.int32) << 8)
            | (p2.astype(jnp.int32) << 16) | (p3.astype(jnp.int32) << 24))


def kernel(input_bits, connections, memory):
    ib = input_bits.astype(jnp.uint8)
    t3w = _pack4(ib[0:256], ib[256:512], ib[512:768], ib[768:1024]).T
    mem32 = jnp.concatenate(
        [_pack4(*(memory[c * 2048 + 512 * q: c * 2048 + 512 * (q + 1)]
                  for q in range(4))) for c in range(NC)], axis=0)
    conn_p = jnp.pad(connections, ((0, 0), (0, LANES - K)))
    conn_f = conn_p.reshape(N // LANES, LANES * LANES)
    outw = _sc_call(t3w, conn_f, mem32)
    outw = outw.reshape(N, WORDS).T
    ys = [((outw >> (8 * i)) & 1).astype(jnp.bool_) for i in range(4)]
    return jnp.concatenate(ys, axis=0)

# --- scband reference (transcript-rebuilt; emitter-appended) ---
"""Pipeline reference for scband-ramlayer-21818433864465 (READ-ONLY COPY).

The authoritative reference and input builder live on the scoring server;
editing this copy changes nothing except your own understanding.
"""

import jax, jax.numpy as jnp
import numpy as np

BATCH = 1024
TOTAL_INPUT_BITS = 2048
NUM_NEURONS = 4096
N_BITS = 12
NUM_ADDR = 2 ** N_BITS
VAL1 = 2  # MemoryVal.VAL1.value; EMPTY=0, VAL0=1, VAL1=2


def setup_inputs(seed: int = 0) -> dict:
    key = jax.random.key(seed)
    k1, k2, k3 = jax.random.split(key, 3)
    input_bits = jax.random.randint(k1, (BATCH, TOTAL_INPUT_BITS), 0, 2).astype(jnp.bool_)
    # Fixed (non-trainable) random connections: each neuron reads N_BITS input positions.
    connections = jax.random.randint(k2, (NUM_NEURONS, N_BITS), 0, TOTAL_INPUT_BITS).astype(jnp.int32)
    # 2-bit memory values stored as uint8 in {0=EMPTY, 1=VAL0, 2=VAL1}.
    memory = jax.random.randint(k3, (NUM_NEURONS, NUM_ADDR), 0, 3).astype(jnp.uint8)
    return {"input_bits": input_bits, "connections": connections, "memory": memory}


def get_addresses(input_bits, connections):
    # Gather each neuron's connected bits: [B, NUM_NEURONS, N_BITS]
    bits = jnp.take(input_bits.astype(jnp.int32), connections, axis=1)
    # Binary-encode to int address (MSB-first), [B, NUM_NEURONS]
    weights = (2 ** jnp.arange(N_BITS - 1, -1, -1, dtype=jnp.int32))
    return jnp.sum(bits * weights[None, None, :], axis=-1)


def reference(input_bits, connections, memory):
    addr = get_addresses(input_bits, connections)  # [B, N] int32
    neuron_idx = jnp.arange(NUM_NEURONS, dtype=jnp.int32)[None, :]
    vals = memory[neuron_idx, addr]  # gather from per-neuron memory rows, [B, N] uint8
    return vals == VAL1  # [B, NUM_NEURONS] bool

if __name__ == "__main__":
    import jax
    _d = setup_inputs()
    print(jax.jit(kernel)(*tuple(_d.values())))

</pallas_src>

<mosaic_0001>
#map = affine_map<(d0, d1) -> (0, 0)>
#map1 = affine_map<(d0, d1) -> (0, 0, 0, 0)>
module attributes {stable_mosaic.version = 14 : i64} {
  func.func @ramlayer_sc(%arg0: i32, %arg1: i32, %arg2: memref<2048x256xi32, #tpu.memory_space<hbm>>, %arg3: memref<256x256xi32, #tpu.memory_space<hbm>>, %arg4: memref<1024x4096xi32, #tpu.memory_space<hbm>>, %arg5: memref<2x4x512x256xi32, #tpu.memory_space<hbm>>, %arg6: memref<512x4x16x32xi32, #tpu.memory_space<vmem_shared>>) attributes {dimension_semantics = [#tpu.dimension_semantics<core_parallel>, #tpu.dimension_semantics<subcore_parallel>], iteration_bounds = array<i64: 2, 16>, scalar_prefetch = 0 : i64, scratch_operands = 1 : i64, tpu.core_type = #tpu.core_type<sc_vector_subcore>, window_params = [{transform_indices = #map}, {transform_indices = #map}, {transform_indices = #map}, {transform_indices = #map1}]} {
    %iota3A = tpu.iota {dimensions = array<i32: 0>} : vector<16xi32>
    "tpu.region"() ({
      %run_scoped3A = memref.alloca() : memref<2048x16xi32, #tpu.memory_space<vmem>>
      %run_scoped3A_3 = memref.alloca() : memref<16x256xi32, #tpu.memory_space<vmem>>
      %run_scoped3A_4 = memref.alloca() : memref<256x32xi32, #tpu.memory_space<vmem>>
      %mul3A_5 = arith.constant 16 : i32
      %mul3A_6 = arith.muli %arg1, %mul3A_5 : i32
      "tpu.region"() ({
        %run_scoped3A_13 = tpu.sem_alloc : memref<!tpu.dma_semaphore, #tpu.memory_space<semaphore_mem>>
        %dma_start3A = arith.constant 0 : i32
        %dma_start3A_14 = tpu.memref_slice %arg2[%dma_start3A, %mul3A_6] : memref<2048x256xi32, #tpu.memory_space<hbm>> -> memref<2048x16xi32, #tpu.memory_space<hbm>>
        %dma_start3A_15 = arith.constant 0 : i32
        %dma_start3A_16 = tpu.memref_slice %arg2[%dma_start3A_15, %mul3A_6] : memref<2048x256xi32, #tpu.memory_space<hbm>> -> memref<2048x16xi32, #tpu.memory_space<hbm>>
        tpu.enqueue_dma source(%dma_start3A_16 : memref<2048x16xi32, #tpu.memory_space<hbm>>) target(%run_scoped3A : memref<2048x16xi32, #tpu.memory_space<vmem>>) target_semaphore(%run_scoped3A_13 : memref<!tpu.dma_semaphore, #tpu.memory_space<semaphore_mem>>)
        %dma_wait3A = arith.constant 0 : i32
        %dma_wait3A_17 = tpu.memref_slice %arg2[%dma_wait3A, %mul3A_6] : memref<2048x256xi32, #tpu.memory_space<hbm>> -> memref<2048x16xi32, #tpu.memory_space<hbm>>
        %dma_wait3A_18 = arith.constant 0 : i32
        %dma_wait3A_19 = tpu.memref_slice %arg2[%dma_wait3A_18, %mul3A_6] : memref<2048x256xi32, #tpu.memory_space<hbm>> -> memref<2048x16xi32, #tpu.memory_space<hbm>>
        tpu.wait_dma2 semaphore(%run_scoped3A_13 : memref<!tpu.dma_semaphore, #tpu.memory_space<semaphore_mem>>) src(%dma_wait3A_19 : memref<2048x16xi32, #tpu.memory_space<hbm>>) dst(%run_scoped3A : memref<2048x16xi32, #tpu.memory_space<vmem>>)
        tpu.yield
      }) : () -> ()
      %scan3A = arith.constant 0 : i32
      %scan3A_7 = arith.constant 0 : i32
      %scan3A_8 = arith.constant 8 : i32
      %scan3A_9 = arith.addi %scan3A_7, %scan3A_8 : i32
      %scan3A_10 = arith.constant 1 : i32
      %scan3A_11 = scf.for %scan3A_13 = %scan3A_7 to %scan3A_9 step %scan3A_10 iter_args(%scan3A_14 = %scan3A) -> (i32)  : i32 {
        %mul3A_15 = arith.constant 2048 : i32
        %mul3A_16 = arith.muli %arg0, %mul3A_15 : i32
        %mul3A_17 = arith.constant 256 : i32
        %mul3A_18 = arith.muli %scan3A_13, %mul3A_17 : i32
        %add3A_19 = arith.addi %mul3A_16, %mul3A_18 : i32
        %jit3A = arith.constant 16 : i32
        %div3A = arith.divsi %add3A_19, %jit3A : i32
        %sign3A = arith.constant 0 : i32
        %sign3A_20 = arith.cmpi sgt, %add3A_19, %sign3A : i32
        %sign3A_21 = arith.extui %sign3A_20 : i1 to i32
        %sign3A_22 = arith.constant 0 : i32
        %sign3A_23 = arith.cmpi slt, %add3A_19, %sign3A_22 : i32
        %sign3A_24 = arith.extui %sign3A_23 : i1 to i32
        %sign3A_25 = arith.subi %sign3A_21, %sign3A_24 : i32
        %sign3A_26 = arith.constant 0 : i32
        %sign3A_27 = arith.cmpi sgt, %jit3A, %sign3A_26 : i32
        %sign3A_28 = arith.extui %sign3A_27 : i1 to i32
        %sign3A_29 = arith.constant 0 : i32
        %sign3A_30 = arith.cmpi slt, %jit3A, %sign3A_29 : i32
        %sign3A_31 = arith.extui %sign3A_30 : i1 to i32
        %sign3A_32 = arith.subi %sign3A_28, %sign3A_31 : i32
        %ne3A = arith.cmpi ne, %sign3A_25, %sign3A_32 : i32
        %rem3A = arith.remsi %add3A_19, %jit3A : i32
        %ne3A_33 = arith.constant 0 : i32
        %ne3A_34 = arith.cmpi ne, %rem3A, %ne3A_33 : i32
        %and3A = arith.andi %ne3A, %ne3A_34 : i1
        %sub3A = arith.constant 1 : i32
        %sub3A_35 = arith.subi %div3A, %sub3A : i32
        %select_n3A = arith.select %and3A, %sub3A_35, %div3A : i32
        %multiple_of3A = tpu.assume_multiple %select_n3A, 8 : i32
        "tpu.region"() ({
          %run_scoped3A_44 = tpu.sem_alloc : memref<!tpu.dma_semaphore, #tpu.memory_space<semaphore_mem>>
          %dma_start3A = arith.constant 0 : i32
          %dma_start3A_45 = tpu.memref_slice %arg3[%multiple_of3A, %dma_start3A] : memref<256x256xi32, #tpu.memory_space<hbm>> -> memref<16x256xi32, #tpu.memory_space<hbm>>
          %dma_start3A_46 = arith.constant 0 : i32
          %dma_start3A_47 = tpu.memref_slice %arg3[%multiple_of3A, %dma_start3A_46] : memref<256x256xi32, #tpu.memory_space<hbm>> -> memref<16x256xi32, #tpu.memory_space<hbm>>
          tpu.enqueue_dma source(%dma_start3A_47 : memref<16x256xi32, #tpu.memory_space<hbm>>) target(%run_scoped3A_3 : memref<16x256xi32, #tpu.memory_space<vmem>>) target_semaphore(%run_scoped3A_44 : memref<!tpu.dma_semaphore, #tpu.memory_space<semaphore_mem>>)
          %dma_wait3A = arith.constant 0 : i32
          %dma_wait3A_48 = tpu.memref_slice %arg3[%multiple_of3A, %dma_wait3A] : memref<256x256xi32, #tpu.memory_space<hbm>> -> memref<16x256xi32, #tpu.memory_space<hbm>>
          %dma_wait3A_49 = arith.constant 0 : i32
          %dma_wait3A_50 = tpu.memref_slice %arg3[%multiple_of3A, %dma_wait3A_49] : memref<256x256xi32, #tpu.memory_space<hbm>> -> memref<16x256xi32, #tpu.memory_space<hbm>>
          tpu.wait_dma2 semaphore(%run_scoped3A_44 : memref<!tpu.dma_semaphore, #tpu.memory_space<semaphore_mem>>) src(%dma_wait3A_50 : memref<16x256xi32, #tpu.memory_space<hbm>>) dst(%run_scoped3A_3 : memref<16x256xi32, #tpu.memory_space<vmem>>)
          tpu.yield
        }) : () -> ()
        %parallel_loop3A = arith.constant 0 : i32
        %parallel_loop3A_36 = arith.constant 256 : i32
        %parallel_loop3A_37 = arith.constant 1 : i32
        scf.for %parallel_loop3A_44 = %parallel_loop3A to %parallel_loop3A_36 step %parallel_loop3A_37  : i32 {
          %parallel_loop3A_45 = arith.constant 0 : i32
          %parallel_loop3A_46 = vector.broadcast %parallel_loop3A_45 : i32 to vector<16xi32>
          %parallel_loop3A_47 = arith.constant 0 : i32
          %parallel_loop3A_48 = vector.broadcast %parallel_loop3A_47 : i32 to vector<16xi32>
          %parallel_loop3A_49 = arith.constant 4 : i32
          %parallel_loop3A_50 = arith.shrsi %parallel_loop3A_44, %parallel_loop3A_49 : i32
          %parallel_loop3A_51 = arith.constant 15 : i32
          %parallel_loop3A_52 = arith.andi %parallel_loop3A_44, %parallel_loop3A_51 : i32
          %parallel_loop3A_53 = arith.constant 16 : i32
          %parallel_loop3A_54 = arith.muli %parallel_loop3A_52, %parallel_loop3A_53 : i32
          %parallel_loop3A_55 = arith.index_cast %parallel_loop3A_50 : i32 to index
          %parallel_loop3A_56 = arith.index_cast %parallel_loop3A_54 : i32 to index
          %parallel_loop3A_57 = tpu.vector_load %run_scoped3A_3[%parallel_loop3A_55, %parallel_loop3A_56] {strides = array<i32>} : memref<16x256xi32, #tpu.memory_space<vmem>>, vector<16xi32>,
          %parallel_loop3A_58 = vector.extract_strided_slice %parallel_loop3A_57 {offsets = [0], sizes = [1], strides = [1]} : vector<16xi32> to vector<1xi32>
          %parallel_loop3A_59 = vector.extract %parallel_loop3A_58[0] : i32 from vector<1xi32>
          %parallel_loop3A_60 = arith.index_cast %parallel_loop3A_59 : i32 to index
          %parallel_loop3A_61 = arith.constant 0 : index
          %parallel_loop3A_62 = tpu.vector_load %run_scoped3A[%parallel_loop3A_60, %parallel_loop3A_61] {strides = array<i32>} : memref<2048x16xi32, #tpu.memory_space<vmem>>, vector<16xi32>,
          %parallel_loop3A_63 = arith.constant 5 : i32
          %parallel_loop3A_64 = vector.broadcast %parallel_loop3A_63 : i32 to vector<16xi32>
          %parallel_loop3A_65 = arith.shli %parallel_loop3A_62, %parallel_loop3A_64 : vector<16xi32>
          %parallel_loop3A_66 = arith.addi %parallel_loop3A_46, %parallel_loop3A_65 : vector<16xi32>
          %parallel_loop3A_67 = vector.extract_strided_slice %parallel_loop3A_57 {offsets = [1], sizes = [1], strides = [1]} : vector<16xi32> to vector<1xi32>
          %parallel_loop3A_68 = vector.extract %parallel_loop3A_67[0] : i32 from vector<1xi32>
          %parallel_loop3A_69 = arith.index_cast %parallel_loop3A_68 : i32 to index
          %parallel_loop3A_70 = arith.constant 0 : index
          %parallel_loop3A_71 = tpu.vector_load %run_scoped3A[%parallel_loop3A_69, %parallel_loop3A_70] {strides = array<i32>} : memref<2048x16xi32, #tpu.memory_space<vmem>>, vector<16xi32>,
          %parallel_loop3A_72 = arith.constant 4 : i32
          %parallel_loop3A_73 = vector.broadcast %parallel_loop3A_72 : i32 to vector<16xi32>
          %parallel_loop3A_74 = arith.shli %parallel_loop3A_71, %parallel_loop3A_73 : vector<16xi32>
          %parallel_loop3A_75 = arith.addi %parallel_loop3A_66, %parallel_loop3A_74 : vector<16xi32>
          %parallel_loop3A_76 = vector.extract_strided_slice %parallel_loop3A_57 {offsets = [2], sizes = [1], strides = [1]} : vector<16xi32> to vector<1xi32>
          %parallel_loop3A_77 = vector.extract %parallel_loop3A_76[0] : i32 from vector<1xi32>
          %parallel_loop3A_78 = arith.index_cast %parallel_loop3A_77 : i32 to index
          %parallel_loop3A_79 = arith.constant 0 : index
          %parallel_loop3A_80 = tpu.vector_load %run_scoped3A[%parallel_loop3A_78, %parallel_loop3A_79] {strides = array<i32>} : memref<2048x16xi32, #tpu.memory_space<vmem>>, vector<16xi32>,
          %parallel_loop3A_81 = arith.constant 3 : i32
          %parallel_loop3A_82 = vector.broadcast %parallel_loop3A_81 : i32 to vector<16xi32>
          %parallel_loop3A_83 = arith.shli %parallel_loop3A_80, %parallel_loop3A_82 : vector<16xi32>
          %parallel_loop3A_84 = arith.addi %parallel_loop3A_75, %parallel_loop3A_83 : vector<16xi32>
          %parallel_loop3A_85 = vector.extract_strided_slice %parallel_loop3A_57 {offsets = [3], sizes = [1], strides = [1]} : vector<16xi32> to vector<1xi32>
          %parallel_loop3A_86 = vector.extract %parallel_loop3A_85[0] : i32 from vector<1xi32>
          %parallel_loop3A_87 = arith.index_cast %parallel_loop3A_86 : i32 to index
          %parallel_loop3A_88 = arith.constant 0 : index
          %parallel_loop3A_89 = tpu.vector_load %run_scoped3A[%parallel_loop3A_87, %parallel_loop3A_88] {strides = array<i32>} : memref<2048x16xi32, #tpu.memory_space<vmem>>, vector<16xi32>,
          %parallel_loop3A_90 = arith.constant 2 : i32
          %parallel_loop3A_91 = vector.broadcast %parallel_loop3A_90 : i32 to vector<16xi32>
          %parallel_loop3A_92 = arith.shli %parallel_loop3A_89, %parallel_loop3A_91 : vector<16xi32>
          %parallel_loop3A_93 = arith.addi %parallel_loop3A_84, %parallel_loop3A_92 : vector<16xi32>
          %parallel_loop3A_94 = vector.extract_strided_slice %parallel_loop3A_57 {offsets = [4], sizes = [1], strides = [1]} : vector<16xi32> to vector<1xi32>
          %parallel_loop3A_95 = vector.extract %parallel_loop3A_94[0] : i32 from vector<1xi32>
          %parallel_loop3A_96 = arith.index_cast %parallel_loop3A_95 : i32 to index
          %parallel_loop3A_97 = arith.constant 0 : index
          %parallel_loop3A_98 = tpu.vector_load %run_scoped3A[%parallel_loop3A_96, %parallel_loop3A_97] {strides = array<i32>} : memref<2048x16xi32, #tpu.memory_space<vmem>>, vector<16xi32>,
          %parallel_loop3A_99 = arith.constant 1 : i32
          %parallel_loop3A_100 = vector.broadcast %parallel_loop3A_99 : i32 to vector<16xi32>
          %parallel_loop3A_101 = arith.shli %parallel_loop3A_98, %parallel_loop3A_100 : vector<16xi32>
          %parallel_loop3A_102 = arith.addi %parallel_loop3A_93, %parallel_loop3A_101 : vector<16xi32>
          %parallel_loop3A_103 = vector.extract_strided_slice %parallel_loop3A_57 {offsets = [5], sizes = [1], strides = [1]} : vector<16xi32> to vector<1xi32>
          %parallel_loop3A_104 = vector.extract %parallel_loop3A_103[0] : i32 from vector<1xi32>
          %parallel_loop3A_105 = arith.index_cast %parallel_loop3A_104 : i32 to index
          %parallel_loop3A_106 = arith.constant 0 : index
          %parallel_loop3A_107 = tpu.vector_load %run_scoped3A[%parallel_loop3A_105, %parallel_loop3A_106] {strides = array<i32>} : memref<2048x16xi32, #tpu.memory_space<vmem>>, vector<16xi32>,
          %parallel_loop3A_108 = arith.constant 0 : i32
          %parallel_loop3A_109 = vector.broadcast %parallel_loop3A_108 : i32 to vector<16xi32>
          %parallel_loop3A_110 = arith.shli %parallel_loop3A_107, %parallel_loop3A_109 : vector<16xi32>
          %parallel_loop3A_111 = arith.addi %parallel_loop3A_102, %parallel_loop3A_110 : vector<16xi32>
          %parallel_loop3A_112 = vector.extract_strided_slice %parallel_loop3A_57 {offsets = [6], sizes = [1], strides = [1]} : vector<16xi32> to vector<1xi32>
          %parallel_loop3A_113 = vector.extract %parallel_loop3A_112[0] : i32 from vector<1xi32>
          %parallel_loop3A_114 = arith.index_cast %parallel_loop3A_113 : i32 to index
          %parallel_loop3A_115 = arith.constant 0 : index
          %parallel_loop3A_116 = tpu.vector_load %run_scoped3A[%parallel_loop3A_114, %parallel_loop3A_115] {strides = array<i32>} : memref<2048x16xi32, #tpu.memory_space<vmem>>, vector<16xi32>,
          %parallel_loop3A_117 = arith.constant 5 : i32
          %parallel_loop3A_118 = vector.broadcast %parallel_loop3A_117 : i32 to vector<16xi32>
          %parallel_loop3A_119 = arith.shli %parallel_loop3A_116, %parallel_loop3A_118 : vector<16xi32>
          %parallel_loop3A_120 = arith.addi %parallel_loop3A_48, %parallel_loop3A_119 : vector<16xi32>
          %parallel_loop3A_121 = vector.extract_strided_slice %parallel_loop3A_57 {offsets = [7], sizes = [1], strides = [1]} : vector<16xi32> to vector<1xi32>
          %parallel_loop3A_122 = vector.extract %parallel_loop3A_121[0] : i32 from vector<1xi32>
          %parallel_loop3A_123 = arith.index_cast %parallel_loop3A_122 : i32 to index
          %parallel_loop3A_124 = arith.constant 0 : index
          %parallel_loop3A_125 = tpu.vector_load %run_scoped3A[%parallel_loop3A_123, %parallel_loop3A_124] {strides = array<i32>} : memref<2048x16xi32, #tpu.memory_space<vmem>>, vector<16xi32>,
          %parallel_loop3A_126 = arith.constant 4 : i32
          %parallel_loop3A_127 = vector.broadcast %parallel_loop3A_126 : i32 to vector<16xi32>
          %parallel_loop3A_128 = arith.shli %parallel_loop3A_125, %parallel_loop3A_127 : vector<16xi32>
          %parallel_loop3A_129 = arith.addi %parallel_loop3A_120, %parallel_loop3A_128 : vector<16xi32>
          %parallel_loop3A_130 = vector.extract_strided_slice %parallel_loop3A_57 {offsets = [8], sizes = [1], strides = [1]} : vector<16xi32> to vector<1xi32>
          %parallel_loop3A_131 = vector.extract %parallel_loop3A_130[0] : i32 from vector<1xi32>
          %parallel_loop3A_132 = arith.index_cast %parallel_loop3A_131 : i32 to index
          %parallel_loop3A_133 = arith.constant 0 : index
          %parallel_loop3A_134 = tpu.vector_load %run_scoped3A[%parallel_loop3A_132, %parallel_loop3A_133] {strides = array<i32>} : memref<2048x16xi32, #tpu.memory_space<vmem>>, vector<16xi32>,
          %parallel_loop3A_135 = arith.constant 3 : i32
          %parallel_loop3A_136 = vector.broadcast %parallel_loop3A_135 : i32 to vector<16xi32>
          %parallel_loop3A_137 = arith.shli %parallel_loop3A_134, %parallel_loop3A_136 : vector<16xi32>
          %parallel_loop3A_138 = arith.addi %parallel_loop3A_129, %parallel_loop3A_137 : vector<16xi32>
          %parallel_loop3A_139 = vector.extract_strided_slice %parallel_loop3A_57 {offsets = [9], sizes = [1], strides = [1]} : vector<16xi32> to vector<1xi32>
          %parallel_loop3A_140 = vector.extract %parallel_loop3A_139[0] : i32 from vector<1xi32>
          %parallel_loop3A_141 = arith.index_cast %parallel_loop3A_140 : i32 to index
          %parallel_loop3A_142 = arith.constant 0 : index
          %parallel_loop3A_143 = tpu.vector_load %run_scoped3A[%parallel_loop3A_141, %parallel_loop3A_142] {strides = array<i32>} : memref<2048x16xi32, #tpu.memory_space<vmem>>, vector<16xi32>,
          %parallel_loop3A_144 = arith.constant 2 : i32
          %parallel_loop3A_145 = vector.broadcast %parallel_loop3A_144 : i32 to vector<16xi32>
          %parallel_loop3A_146 = arith.shli %parallel_loop3A_143, %parallel_loop3A_145 : vector<16xi32>
          %parallel_loop3A_147 = arith.addi %parallel_loop3A_138, %parallel_loop3A_146 : vector<16xi32>
          %parallel_loop3A_148 = vector.extract_strided_slice %parallel_loop3A_57 {offsets = [10], sizes = [1], strides = [1]} : vector<16xi32> to vector<1xi32>
          %parallel_loop3A_149 = vector.extract %parallel_loop3A_148[0] : i32 from vector<1xi32>
          %parallel_loop3A_150 = arith.index_cast %parallel_loop3A_149 : i32 to index
          %parallel_loop3A_151 = arith.constant 0 : index
          %parallel_loop3A_152 = tpu.vector_load %run_scoped3A[%parallel_loop3A_150, %parallel_loop3A_151] {strides = array<i32>} : memref<2048x16xi32, #tpu.memory_space<vmem>>, vector<16xi32>,
          %parallel_loop3A_153 = arith.constant 1 : i32
          %parallel_loop3A_154 = vector.broadcast %parallel_loop3A_153 : i32 to vector<16xi32>
          %parallel_loop3A_155 = arith.shli %parallel_loop3A_152, %parallel_loop3A_154 : vector<16xi32>
          %parallel_loop3A_156 = arith.addi %parallel_loop3A_147, %parallel_loop3A_155 : vector<16xi32>
          %parallel_loop3A_157 = vector.extract_strided_slice %parallel_loop3A_57 {offsets = [11], sizes = [1], strides = [1]} : vector<16xi32> to vector<1xi32>
          %parallel_loop3A_158 = vector.extract %parallel_loop3A_157[0] : i32 from vector<1xi32>
          %parallel_loop3A_159 = arith.index_cast %parallel_loop3A_158 : i32 to index
          %parallel_loop3A_160 = arith.constant 0 : index
          %parallel_loop3A_161 = tpu.vector_load %run_scoped3A[%parallel_loop3A_159, %parallel_loop3A_160] {strides = array<i32>} : memref<2048x16xi32, #tpu.memory_space<vmem>>, vector<16xi32>,
          %parallel_loop3A_162 = arith.constant 0 : i32
          %parallel_loop3A_163 = vector.broadcast %parallel_loop3A_162 : i32 to vector<16xi32>
          %parallel_loop3A_164 = arith.shli %parallel_loop3A_161, %parallel_loop3A_163 : vector<16xi32>
          %parallel_loop3A_165 = arith.addi %parallel_loop3A_156, %parallel_loop3A_164 : vector<16xi32>
          %parallel_loop3A_166 = arith.index_cast %parallel_loop3A_44 : i32 to index
          %parallel_loop3A_167 = arith.constant 0 : index
          %parallel_loop3A_168 = tpu.vector_load %run_scoped3A_4[%parallel_loop3A_166, %parallel_loop3A_167] {strides = array<i32>} : memref<256x32xi32, #tpu.memory_space<vmem>>, vector<16xi32>,
          tpu.vector_store %run_scoped3A_4[%parallel_loop3A_166, %parallel_loop3A_167], %parallel_loop3A_111 {strides = array<i32>} : memref<256x32xi32, #tpu.memory_space<vmem>>, vector<16xi32>,
          %parallel_loop3A_169 = arith.index_cast %parallel_loop3A_44 : i32 to index
          %parallel_loop3A_170 = arith.constant 16 : index
          %parallel_loop3A_171 = tpu.vector_load %run_scoped3A_4[%parallel_loop3A_169, %parallel_loop3A_170] {strides = array<i32>} : memref<256x32xi32, #tpu.memory_space<vmem>>, vector<16xi32>,
          tpu.vector_store %run_scoped3A_4[%parallel_loop3A_169, %parallel_loop3A_170], %parallel_loop3A_165 {strides = array<i32>} : memref<256x32xi32, #tpu.memory_space<vmem>>, vector<16xi32>,
        } {sc.loop_unroll_factor = 4 : i64, sc.parallel_access}
        %and3A_38 = arith.constant 1 : i32
        %and3A_39 = arith.andi %scan3A_13, %and3A_38 : i32
        %mul3A_40 = arith.constant 256 : i32
        %mul3A_41 = arith.muli %and3A_39, %mul3A_40 : i32
        %shift_right_arithmetic3A = arith.constant 1 : i32
        %shift_right_arithmetic3A_42 = arith.shrsi %scan3A_13, %shift_right_arithmetic3A : i32
        "tpu.region"() ({
          %run_scoped3A_44 = tpu.sem_alloc : memref<!tpu.dma_semaphore, #tpu.memory_space<semaphore_mem>>
          %dma_start3A = arith.constant 0 : i32
          %dma_start3A_45 = tpu.memref_slice %arg6[%mul3A_41, %shift_right_arithmetic3A_42, %arg1, %dma_start3A] : memref<512x4x16x32xi32, #tpu.memory_space<vmem_shared>> -> memref<256x1x1x32xi32, #tpu.memory_space<vmem_shared>>
          %dma_start3A_46 = tpu.memref_squeeze %dma_start3A_45 : memref<256x1x1x32xi32, #tpu.memory_space<vmem_shared>> -> memref<256x32xi32, #tpu.memory_space<vmem_shared>>
          %dma_start3A_47 = arith.constant 0 : i32
          %dma_start3A_48 = tpu.memref_slice %arg6[%mul3A_41, %shift_right_arithmetic3A_42, %arg1, %dma_start3A_47] : memref<512x4x16x32xi32, #tpu.memory_space<vmem_shared>> -> memref<256x1x1x32xi32, #tpu.memory_space<vmem_shared>>
          %dma_start3A_49 = tpu.memref_squeeze %dma_start3A_48 : memref<256x1x1x32xi32, #tpu.memory_space<vmem_shared>> -> memref<256x32xi32, #tpu.memory_space<vmem_shared>>
          tpu.enqueue_dma source(%run_scoped3A_4 : memref<256x32xi32, #tpu.memory_space<vmem>>) target(%dma_start3A_49 : memref<256x32xi32, #tpu.memory_space<vmem_shared>>) target_semaphore(%run_scoped3A_44 : memref<!tpu.dma_semaphore, #tpu.memory_space<semaphore_mem>>)
          %dma_wait3A = arith.constant 0 : i32
          %dma_wait3A_50 = tpu.memref_slice %arg6[%mul3A_41, %shift_right_arithmetic3A_42, %arg1, %dma_wait3A] : memref<512x4x16x32xi32, #tpu.memory_space<vmem_shared>> -> memref<256x1x1x32xi32, #tpu.memory_space<vmem_shared>>
          %dma_wait3A_51 = tpu.memref_squeeze %dma_wait3A_50 : memref<256x1x1x32xi32, #tpu.memory_space<vmem_shared>> -> memref<256x32xi32, #tpu.memory_space<vmem_shared>>
          %dma_wait3A_52 = arith.constant 0 : i32
          %dma_wait3A_53 = tpu.memref_slice %arg6[%mul3A_41, %shift_right_arithmetic3A_42, %arg1, %dma_wait3A_52] : memref<512x4x16x32xi32, #tpu.memory_space<vmem_shared>> -> memref<256x1x1x32xi32, #tpu.memory_space<vmem_shared>>
          %dma_wait3A_54 = tpu.memref_squeeze %dma_wait3A_53 : memref<256x1x1x32xi32, #tpu.memory_space<vmem_shared>> -> memref<256x32xi32, #tpu.memory_space<vmem_shared>>
          tpu.wait_dma2 semaphore(%run_scoped3A_44 : memref<!tpu.dma_semaphore, #tpu.memory_space<semaphore_mem>>) src(%run_scoped3A_4 : memref<256x32xi32, #tpu.memory_space<vmem>>) dst(%dma_wait3A_54 : memref<256x32xi32, #tpu.memory_space<vmem_shared>>)
          tpu.yield
        }) : () -> ()
        %scan3A_43 = arith.constant 0 : i32
        scf.yield %scan3A_43 : i32
      }
      %scan3A_12 = arith.constant 8 : i32
      tpu.yield
    }) : () -> ()
    %barrier3A = arith.constant 0 : index
    tpu.barrier barrier_id(%barrier3A)
    %mul3A = arith.constant 512 : i32
    %mul3A_0 = arith.muli %arg0, %mul3A : i32
    %mul3A_1 = arith.constant 32 : i32
    %mul3A_2 = arith.muli %arg1, %mul3A_1 : i32
    %add3A = arith.addi %mul3A_0, %mul3A_2 : i32
    "tpu.region"() ({
      %run_scoped3A = memref.alloca() : memref<8x4096xi32, #tpu.memory_space<vmem>>
      %run_scoped3A_3 = memref.alloca() : memref<8x4x16x32xi32, #tpu.memory_space<vmem>>
      %run_scoped3A_4 = memref.alloca() : memref<4x8x256xi32, #tpu.memory_space<vmem>>
      %scan3A = arith.constant 0 : i32
      %scan3A_5 = arith.constant 0 : i32
      %scan3A_6 = arith.constant 4 : i32
      %scan3A_7 = arith.addi %scan3A_5, %scan3A_6 : i32
      %scan3A_8 = arith.constant 1 : i32
      %scan3A_9 = scf.for %scan3A_11 = %scan3A_5 to %scan3A_7 step %scan3A_8 iter_args(%scan3A_12 = %scan3A) -> (i32)  : i32 {
        %mul3A_13 = arith.constant 8 : i32
        %mul3A_14 = arith.muli %scan3A_11, %mul3A_13 : i32
        %add3A_15 = arith.addi %add3A, %mul3A_14 : i32
        %multiple_of3A = tpu.assume_multiple %add3A_15, 8 : i32
        "tpu.region"() ({
          %run_scoped3A_29 = tpu.sem_alloc : memref<!tpu.dma_semaphore, #tpu.memory_space<semaphore_mem>>
          %dma_start3A = arith.constant 0 : i32
          %dma_start3A_30 = tpu.memref_slice %arg4[%multiple_of3A, %dma_start3A] : memref<1024x4096xi32, #tpu.memory_space<hbm>> -> memref<8x4096xi32, #tpu.memory_space<hbm>>
          %dma_start3A_31 = arith.constant 0 : i32
          %dma_start3A_32 = tpu.memref_slice %arg4[%multiple_of3A, %dma_start3A_31] : memref<1024x4096xi32, #tpu.memory_space<hbm>> -> memref<8x4096xi32, #tpu.memory_space<hbm>>
          tpu.enqueue_dma source(%dma_start3A_32 : memref<8x4096xi32, #tpu.memory_space<hbm>>) target(%run_scoped3A : memref<8x4096xi32, #tpu.memory_space<vmem>>) target_semaphore(%run_scoped3A_29 : memref<!tpu.dma_semaphore, #tpu.memory_space<semaphore_mem>>)
          %dma_wait3A = arith.constant 0 : i32
          %dma_wait3A_33 = tpu.memref_slice %arg4[%multiple_of3A, %dma_wait3A] : memref<1024x4096xi32, #tpu.memory_space<hbm>> -> memref<8x4096xi32, #tpu.memory_space<hbm>>
          %dma_wait3A_34 = arith.constant 0 : i32
          %dma_wait3A_35 = tpu.memref_slice %arg4[%multiple_of3A, %dma_wait3A_34] : memref<1024x4096xi32, #tpu.memory_space<hbm>> -> memref<8x4096xi32, #tpu.memory_space<hbm>>
          tpu.wait_dma2 semaphore(%run_scoped3A_29 : memref<!tpu.dma_semaphore, #tpu.memory_space<semaphore_mem>>) src(%dma_wait3A_35 : memref<8x4096xi32, #tpu.memory_space<hbm>>) dst(%run_scoped3A : memref<8x4096xi32, #tpu.memory_space<vmem>>)
          tpu.yield
        }) : () -> ()
        %mul3A_16 = arith.constant 32 : i32
        %mul3A_17 = arith.muli %arg1, %mul3A_16 : i32
        %mul3A_18 = arith.constant 8 : i32
        %mul3A_19 = arith.muli %scan3A_11, %mul3A_18 : i32
        %add3A_20 = arith.addi %mul3A_17, %mul3A_19 : i32
        "tpu.region"() ({
          %run_scoped3A_29 = tpu.sem_alloc : memref<!tpu.dma_semaphore, #tpu.memory_space<semaphore_mem>>
          %dma_start3A = arith.constant 0 : i32
          %dma_start3A_30 = arith.constant 0 : i32
          %dma_start3A_31 = arith.constant 0 : i32
          %dma_start3A_32 = tpu.memref_slice %arg6[%add3A_20, %dma_start3A, %dma_start3A_30, %dma_start3A_31] : memref<512x4x16x32xi32, #tpu.memory_space<vmem_shared>> -> memref<8x4x16x32xi32, #tpu.memory_space<vmem_shared>>
          %dma_start3A_33 = arith.constant 0 : i32
          %dma_start3A_34 = arith.constant 0 : i32
          %dma_start3A_35 = arith.constant 0 : i32
          %dma_start3A_36 = tpu.memref_slice %arg6[%add3A_20, %dma_start3A_33, %dma_start3A_34, %dma_start3A_35] : memref<512x4x16x32xi32, #tpu.memory_space<vmem_shared>> -> memref<8x4x16x32xi32, #tpu.memory_space<vmem_shared>>
          tpu.enqueue_dma source(%dma_start3A_36 : memref<8x4x16x32xi32, #tpu.memory_space<vmem_shared>>) target(%run_scoped3A_3 : memref<8x4x16x32xi32, #tpu.memory_space<vmem>>) target_semaphore(%run_scoped3A_29 : memref<!tpu.dma_semaphore, #tpu.memory_space<semaphore_mem>>)
          %dma_wait3A = arith.constant 0 : i32
          %dma_wait3A_37 = arith.constant 0 : i32
          %dma_wait3A_38 = arith.constant 0 : i32
          %dma_wait3A_39 = tpu.memref_slice %arg6[%add3A_20, %dma_wait3A, %dma_wait3A_37, %dma_wait3A_38] : memref<512x4x16x32xi32, #tpu.memory_space<vmem_shared>> -> memref<8x4x16x32xi32, #tpu.memory_space<vmem_shared>>
          %dma_wait3A_40 = arith.constant 0 : i32
          %dma_wait3A_41 = arith.constant 0 : i32
          %dma_wait3A_42 = arith.constant 0 : i32
          %dma_wait3A_43 = tpu.memref_slice %arg6[%add3A_20, %dma_wait3A_40, %dma_wait3A_41, %dma_wait3A_42] : memref<512x4x16x32xi32, #tpu.memory_space<vmem_shared>> -> memref<8x4x16x32xi32, #tpu.memory_space<vmem_shared>>
          tpu.wait_dma2 semaphore(%run_scoped3A_29 : memref<!tpu.dma_semaphore, #tpu.memory_space<semaphore_mem>>) src(%dma_wait3A_43 : memref<8x4x16x32xi32, #tpu.memory_space<vmem_shared>>) dst(%run_scoped3A_3 : memref<8x4x16x32xi32, #tpu.memory_space<vmem>>)
          tpu.yield
        }) : () -> ()
        %parallel_loop3A = arith.constant 0 : i32
        %parallel_loop3A_21 = arith.constant 32 : i32
        %parallel_loop3A_22 = arith.constant 1 : i32
        scf.for %parallel_loop3A_29 = %parallel_loop3A to %parallel_loop3A_21 step %parallel_loop3A_22  : i32 {
          %parallel_loop3A_30 = arith.constant 0 : i32
          %parallel_loop3A_31 = vector.broadcast %parallel_loop3A_30 : i32 to vector<16xi32>
          %parallel_loop3A_32 = arith.constant 2 : i32
          %parallel_loop3A_33 = arith.shrsi %parallel_loop3A_29, %parallel_loop3A_32 : i32
          %parallel_loop3A_34 = vector.broadcast %parallel_loop3A_33 : i32 to vector<16xi32>
          %parallel_loop3A_35 = arith.addi %parallel_loop3A_31, %parallel_loop3A_34 : vector<16xi32>
          %parallel_loop3A_36 = arith.constant 3 : i32
          %parallel_loop3A_37 = arith.andi %parallel_loop3A_29, %parallel_loop3A_36 : i32
          %parallel_loop3A_38 = arith.constant 8 : i32
          %parallel_loop3A_39 = arith.muli %parallel_loop3A_37, %parallel_loop3A_38 : i32
          %parallel_loop3A_40 = arith.constant 255 : i32
          %parallel_loop3A_41 = arith.shli %parallel_loop3A_40, %parallel_loop3A_39 : i32
          %parallel_loop3A_42 = arith.constant 3 : i32
          %parallel_loop3A_43 = arith.andi %parallel_loop3A_29, %parallel_loop3A_42 : i32
          %parallel_loop3A_44 = arith.constant 8 : i32
          %parallel_loop3A_45 = arith.muli %parallel_loop3A_43, %parallel_loop3A_44 : i32
          %parallel_loop3A_46 = arith.constant 2 : i32
          %parallel_loop3A_47 = arith.shli %parallel_loop3A_46, %parallel_loop3A_45 : i32
          %parallel_loop3A_48 = arith.constant 0 : i32
          %parallel_loop3A_49 = arith.constant 16 : i32
          %parallel_loop3A_50 = arith.constant 1 : i32
          scf.for %parallel_loop3A_51 = %parallel_loop3A_48 to %parallel_loop3A_49 step %parallel_loop3A_50  : i32 {
            %parallel_loop3A_52 = arith.constant 2 : i32
            %parallel_loop3A_53 = arith.shrsi %parallel_loop3A_29, %parallel_loop3A_52 : i32
            %parallel_loop3A_54 = arith.constant 3 : i32
            %parallel_loop3A_55 = arith.andi %parallel_loop3A_29, %parallel_loop3A_54 : i32
            %parallel_loop3A_56 = arith.index_cast %parallel_loop3A_53 : i32 to index
            %parallel_loop3A_57 = arith.index_cast %parallel_loop3A_55 : i32 to index
            %parallel_loop3A_58 = arith.index_cast %parallel_loop3A_51 : i32 to index
            %parallel_loop3A_59 = arith.constant 0 : index
            %parallel_loop3A_60 = tpu.vector_load %run_scoped3A_3[%parallel_loop3A_56, %parallel_loop3A_57, %parallel_loop3A_58, %parallel_loop3A_59] {strides = array<i32>} : memref<8x4x16x32xi32, #tpu.memory_space<vmem>>, vector<16xi32>,
            %parallel_loop3A_61 = arith.constant 2 : i32
            %parallel_loop3A_62 = arith.shrsi %parallel_loop3A_29, %parallel_loop3A_61 : i32
            %parallel_loop3A_63 = arith.constant 3 : i32
            %parallel_loop3A_64 = arith.andi %parallel_loop3A_29, %parallel_loop3A_63 : i32
            %parallel_loop3A_65 = arith.index_cast %parallel_loop3A_62 : i32 to index
            %parallel_loop3A_66 = arith.index_cast %parallel_loop3A_64 : i32 to index
            %parallel_loop3A_67 = arith.index_cast %parallel_loop3A_51 : i32 to index
            %parallel_loop3A_68 = arith.constant 16 : index
            %parallel_loop3A_69 = tpu.vector_load %run_scoped3A_3[%parallel_loop3A_65, %parallel_loop3A_66, %parallel_loop3A_67, %parallel_loop3A_68] {strides = array<i32>} : memref<8x4x16x32xi32, #tpu.memory_space<vmem>>, vector<16xi32>,
            %parallel_loop3A_70 = arith.constant 0 : i32
            %parallel_loop3A_71 = vector.broadcast %parallel_loop3A_70 : i32 to vector<16xi32>
            %parallel_loop3A_72 = arith.constant 0 : i32
            %parallel_loop3A_73 = vector.broadcast %parallel_loop3A_72 : i32 to vector<16xi32>
            %parallel_loop3A_74 = arith.shrsi %parallel_loop3A_60, %parallel_loop3A_73 : vector<16xi32>
            %parallel_loop3A_75 = arith.constant 63 : i32
            %parallel_loop3A_76 = vector.broadcast %parallel_loop3A_75 : i32 to vector<16xi32>
            %parallel_loop3A_77 = arith.andi %parallel_loop3A_74, %parallel_loop3A_76 : vector<16xi32>
            %parallel_loop3A_78 = arith.constant 0 : i32
            %parallel_loop3A_79 = vector.broadcast %parallel_loop3A_78 : i32 to vector<16xi32>
            %parallel_loop3A_80 = arith.shrsi %parallel_loop3A_69, %parallel_loop3A_79 : vector<16xi32>
            %parallel_loop3A_81 = arith.constant 63 : i32
            %parallel_loop3A_82 = vector.broadcast %parallel_loop3A_81 : i32 to vector<16xi32>
            %parallel_loop3A_83 = arith.andi %parallel_loop3A_80, %parallel_loop3A_82 : vector<16xi32>
            %parallel_loop3A_84 = arith.constant 6 : i32
            %parallel_loop3A_85 = vector.broadcast %parallel_loop3A_84 : i32 to vector<16xi32>
            %parallel_loop3A_86 = arith.shli %parallel_loop3A_77, %parallel_loop3A_85 : vector<16xi32>
            %parallel_loop3A_87 = arith.ori %parallel_loop3A_86, %parallel_loop3A_83 : vector<16xi32>
            %parallel_loop3A_88 = tpu.vector_load_idx %run_scoped3A[%parallel_loop3A_35, %parallel_loop3A_87] : memref<8x4096xi32, #tpu.memory_space<vmem>>[vector<16xi32>, vector<16xi32>], vector<16xi32>,
            %parallel_loop3A_89 = vector.broadcast %parallel_loop3A_41 : i32 to vector<16xi32>
            %parallel_loop3A_90 = arith.andi %parallel_loop3A_88, %parallel_loop3A_89 : vector<16xi32>
            %parallel_loop3A_91 = vector.broadcast %parallel_loop3A_47 : i32 to vector<16xi32>
            %parallel_loop3A_92 = arith.cmpi eq, %parallel_loop3A_90, %parallel_loop3A_91 : vector<16xi32>
            %parallel_loop3A_93 = arith.extui %parallel_loop3A_92 : vector<16xi1> to vector<16xi32>
            %parallel_loop3A_94 = arith.constant 0 : i32
            %parallel_loop3A_95 = vector.broadcast %parallel_loop3A_94 : i32 to vector<16xi32>
            %parallel_loop3A_96 = arith.shli %parallel_loop3A_93, %parallel_loop3A_95 : vector<16xi32>
            %parallel_loop3A_97 = arith.ori %parallel_loop3A_71, %parallel_loop3A_96 : vector<16xi32>
            %parallel_loop3A_98 = arith.constant 8 : i32
            %parallel_loop3A_99 = vector.broadcast %parallel_loop3A_98 : i32 to vector<16xi32>
            %parallel_loop3A_100 = arith.shrsi %parallel_loop3A_60, %parallel_loop3A_99 : vector<16xi32>
            %parallel_loop3A_101 = arith.constant 63 : i32
            %parallel_loop3A_102 = vector.broadcast %parallel_loop3A_101 : i32 to vector<16xi32>
            %parallel_loop3A_103 = arith.andi %parallel_loop3A_100, %parallel_loop3A_102 : vector<16xi32>
            %parallel_loop3A_104 = arith.constant 8 : i32
            %parallel_loop3A_105 = vector.broadcast %parallel_loop3A_104 : i32 to vector<16xi32>
            %parallel_loop3A_106 = arith.shrsi %parallel_loop3A_69, %parallel_loop3A_105 : vector<16xi32>
            %parallel_loop3A_107 = arith.constant 63 : i32
            %parallel_loop3A_108 = vector.broadcast %parallel_loop3A_107 : i32 to vector<16xi32>
            %parallel_loop3A_109 = arith.andi %parallel_loop3A_106, %parallel_loop3A_108 : vector<16xi32>
            %parallel_loop3A_110 = arith.constant 6 : i32
            %parallel_loop3A_111 = vector.broadcast %parallel_loop3A_110 : i32 to vector<16xi32>
            %parallel_loop3A_112 = arith.shli %parallel_loop3A_103, %parallel_loop3A_111 : vector<16xi32>
            %parallel_loop3A_113 = arith.ori %parallel_loop3A_112, %parallel_loop3A_109 : vector<16xi32>
            %parallel_loop3A_114 = tpu.vector_load_idx %run_scoped3A[%parallel_loop3A_35, %parallel_loop3A_113] : memref<8x4096xi32, #tpu.memory_space<vmem>>[vector<16xi32>, vector<16xi32>], vector<16xi32>,
            %parallel_loop3A_115 = vector.broadcast %parallel_loop3A_41 : i32 to vector<16xi32>
            %parallel_loop3A_116 = arith.andi %parallel_loop3A_114, %parallel_loop3A_115 : vector<16xi32>
            %parallel_loop3A_117 = vector.broadcast %parallel_loop3A_47 : i32 to vector<16xi32>
            %parallel_loop3A_118 = arith.cmpi eq, %parallel_loop3A_116, %parallel_loop3A_117 : vector<16xi32>
            %parallel_loop3A_119 = arith.extui %parallel_loop3A_118 : vector<16xi1> to vector<16xi32>
            %parallel_loop3A_120 = arith.constant 8 : i32
            %parallel_loop3A_121 = vector.broadcast %parallel_loop3A_120 : i32 to vector<16xi32>
            %parallel_loop3A_122 = arith.shli %parallel_loop3A_119, %parallel_loop3A_121 : vector<16xi32>
            %parallel_loop3A_123 = arith.ori %parallel_loop3A_97, %parallel_loop3A_122 : vector<16xi32>
            %parallel_loop3A_124 = arith.constant 16 : i32
            %parallel_loop3A_125 = vector.broadcast %parallel_loop3A_124 : i32 to vector<16xi32>
            %parallel_loop3A_126 = arith.shrsi %parallel_loop3A_60, %parallel_loop3A_125 : vector<16xi32>
            %parallel_loop3A_127 = arith.constant 63 : i32
            %parallel_loop3A_128 = vector.broadcast %parallel_loop3A_127 : i32 to vector<16xi32>
            %parallel_loop3A_129 = arith.andi %parallel_loop3A_126, %parallel_loop3A_128 : vector<16xi32>
            %parallel_loop3A_130 = arith.constant 16 : i32
            %parallel_loop3A_131 = vector.broadcast %parallel_loop3A_130 : i32 to vector<16xi32>
            %parallel_loop3A_132 = arith.shrsi %parallel_loop3A_69, %parallel_loop3A_131 : vector<16xi32>
            %parallel_loop3A_133 = arith.constant 63 : i32
            %parallel_loop3A_134 = vector.broadcast %parallel_loop3A_133 : i32 to vector<16xi32>
            %parallel_loop3A_135 = arith.andi %parallel_loop3A_132, %parallel_loop3A_134 : vector<16xi32>
            %parallel_loop3A_136 = arith.constant 6 : i32
            %parallel_loop3A_137 = vector.broadcast %parallel_loop3A_136 : i32 to vector<16xi32>
            %parallel_loop3A_138 = arith.shli %parallel_loop3A_129, %parallel_loop3A_137 : vector<16xi32>
            %parallel_loop3A_139 = arith.ori %parallel_loop3A_138, %parallel_loop3A_135 : vector<16xi32>
            %parallel_loop3A_140 = tpu.vector_load_idx %run_scoped3A[%parallel_loop3A_35, %parallel_loop3A_139] : memref<8x4096xi32, #tpu.memory_space<vmem>>[vector<16xi32>, vector<16xi32>], vector<16xi32>,
            %parallel_loop3A_141 = vector.broadcast %parallel_loop3A_41 : i32 to vector<16xi32>
            %parallel_loop3A_142 = arith.andi %parallel_loop3A_140, %parallel_loop3A_141 : vector<16xi32>
            %parallel_loop3A_143 = vector.broadcast %parallel_loop3A_47 : i32 to vector<16xi32>
            %parallel_loop3A_144 = arith.cmpi eq, %parallel_loop3A_142, %parallel_loop3A_143 : vector<16xi32>
            %parallel_loop3A_145 = arith.extui %parallel_loop3A_144 : vector<16xi1> to vector<16xi32>
            %parallel_loop3A_146 = arith.constant 16 : i32
            %parallel_loop3A_147 = vector.broadcast %parallel_loop3A_146 : i32 to vector<16xi32>
            %parallel_loop3A_148 = arith.shli %parallel_loop3A_145, %parallel_loop3A_147 : vector<16xi32>
            %parallel_loop3A_149 = arith.ori %parallel_loop3A_123, %parallel_loop3A_148 : vector<16xi32>
            %parallel_loop3A_150 = arith.constant 24 : i32
            %parallel_loop3A_151 = vector.broadcast %parallel_loop3A_150 : i32 to vector<16xi32>
            %parallel_loop3A_152 = arith.shrsi %parallel_loop3A_60, %parallel_loop3A_151 : vector<16xi32>
            %parallel_loop3A_153 = arith.constant 63 : i32
            %parallel_loop3A_154 = vector.broadcast %parallel_loop3A_153 : i32 to vector<16xi32>
            %parallel_loop3A_155 = arith.andi %parallel_loop3A_152, %parallel_loop3A_154 : vector<16xi32>
            %parallel_loop3A_156 = arith.constant 24 : i32
            %parallel_loop3A_157 = vector.broadcast %parallel_loop3A_156 : i32 to vector<16xi32>
            %parallel_loop3A_158 = arith.shrsi %parallel_loop3A_69, %parallel_loop3A_157 : vector<16xi32>
            %parallel_loop3A_159 = arith.constant 63 : i32
            %parallel_loop3A_160 = vector.broadcast %parallel_loop3A_159 : i32 to vector<16xi32>
            %parallel_loop3A_161 = arith.andi %parallel_loop3A_158, %parallel_loop3A_160 : vector<16xi32>
            %parallel_loop3A_162 = arith.constant 6 : i32
            %parallel_loop3A_163 = vector.broadcast %parallel_loop3A_162 : i32 to vector<16xi32>
            %parallel_loop3A_164 = arith.shli %parallel_loop3A_155, %parallel_loop3A_163 : vector<16xi32>
            %parallel_loop3A_165 = arith.ori %parallel_loop3A_164, %parallel_loop3A_161 : vector<16xi32>
            %parallel_loop3A_166 = tpu.vector_load_idx %run_scoped3A[%parallel_loop3A_35, %parallel_loop3A_165] : memref<8x4096xi32, #tpu.memory_space<vmem>>[vector<16xi32>, vector<16xi32>], vector<16xi32>,
            %parallel_loop3A_167 = vector.broadcast %parallel_loop3A_41 : i32 to vector<16xi32>
            %parallel_loop3A_168 = arith.andi %parallel_loop3A_166, %parallel_loop3A_167 : vector<16xi32>
            %parallel_loop3A_169 = vector.broadcast %parallel_loop3A_47 : i32 to vector<16xi32>
            %parallel_loop3A_170 = arith.cmpi eq, %parallel_loop3A_168, %parallel_loop3A_169 : vector<16xi32>
            %parallel_loop3A_171 = arith.extui %parallel_loop3A_170 : vector<16xi1> to vector<16xi32>
            %parallel_loop3A_172 = arith.constant 24 : i32
            %parallel_loop3A_173 = vector.broadcast %parallel_loop3A_172 : i32 to vector<16xi32>
            %parallel_loop3A_174 = arith.shli %parallel_loop3A_171, %parallel_loop3A_173 : vector<16xi32>
            %parallel_loop3A_175 = arith.ori %parallel_loop3A_149, %parallel_loop3A_174 : vector<16xi32>
            %parallel_loop3A_176 = arith.constant 3 : i32
            %parallel_loop3A_177 = arith.andi %parallel_loop3A_29, %parallel_loop3A_176 : i32
            %parallel_loop3A_178 = arith.constant 2 : i32
            %parallel_loop3A_179 = arith.shrsi %parallel_loop3A_29, %parallel_loop3A_178 : i32
            %parallel_loop3A_180 = arith.constant 16 : i32
            %parallel_loop3A_181 = arith.muli %parallel_loop3A_51, %parallel_loop3A_180 : i32
            %parallel_loop3A_182 = arith.index_cast %parallel_loop3A_177 : i32 to index
            %parallel_loop3A_183 = arith.index_cast %parallel_loop3A_179 : i32 to index
            %parallel_loop3A_184 = arith.index_cast %parallel_loop3A_181 : i32 to index
            %parallel_loop3A_185 = tpu.vector_load %run_scoped3A_4[%parallel_loop3A_182, %parallel_loop3A_183, %parallel_loop3A_184] {strides = array<i32>} : memref<4x8x256xi32, #tpu.memory_space<vmem>>, vector<16xi32>,
            tpu.vector_store %run_scoped3A_4[%parallel_loop3A_182, %parallel_loop3A_183, %parallel_loop3A_184], %parallel_loop3A_175 {strides = array<i32>} : memref<4x8x256xi32, #tpu.memory_space<vmem>>, vector<16xi32>,
          } {sc.loop_unroll_factor = 4 : i64, sc.parallel_access}
        } {sc.loop_unroll_factor = 2 : i64, sc.parallel_access}
        %mul3A_23 = arith.constant 32 : i32
        %mul3A_24 = arith.muli %arg1, %mul3A_23 : i32
        %mul3A_25 = arith.constant 8 : i32
        %mul3A_26 = arith.muli %scan3A_11, %mul3A_25 : i32
        %add3A_27 = arith.addi %mul3A_24, %mul3A_26 : i32
        "tpu.region"() ({
          %run_scoped3A_29 = tpu.sem_alloc : memref<!tpu.dma_semaphore, #tpu.memory_space<semaphore_mem>>
          %dma_start3A = arith.constant 0 : i32
          %dma_start3A_30 = arith.constant 0 : i32
          %dma_start3A_31 = tpu.memref_slice %arg5[%arg0, %dma_start3A, %add3A_27, %dma_start3A_30] : memref<2x4x512x256xi32, #tpu.memory_space<hbm>> -> memref<1x4x8x256xi32, #tpu.memory_space<hbm>>
          %dma_start3A_32 = tpu.memref_squeeze %dma_start3A_31 : memref<1x4x8x256xi32, #tpu.memory_space<hbm>> -> memref<4x8x256xi32, #tpu.memory_space<hbm>>
          %dma_start3A_33 = arith.constant 0 : i32
          %dma_start3A_34 = arith.constant 0 : i32
          %dma_start3A_35 = tpu.memref_slice %arg5[%arg0, %dma_start3A_33, %add3A_27, %dma_start3A_34] : memref<2x4x512x256xi32, #tpu.memory_space<hbm>> -> memref<1x4x8x256xi32, #tpu.memory_space<hbm>>
          %dma_start3A_36 = tpu.memref_squeeze %dma_start3A_35 : memref<1x4x8x256xi32, #tpu.memory_space<hbm>> -> memref<4x8x256xi32, #tpu.memory_space<hbm>>
          tpu.enqueue_dma source(%run_scoped3A_4 : memref<4x8x256xi32, #tpu.memory_space<vmem>>) target(%dma_start3A_36 : memref<4x8x256xi32, #tpu.memory_space<hbm>>) target_semaphore(%run_scoped3A_29 : memref<!tpu.dma_semaphore, #tpu.memory_space<semaphore_mem>>)
          %dma_wait3A = arith.constant 0 : i32
          %dma_wait3A_37 = arith.constant 0 : i32
          %dma_wait3A_38 = tpu.memref_slice %arg5[%arg0, %dma_wait3A, %add3A_27, %dma_wait3A_37] : memref<2x4x512x256xi32, #tpu.memory_space<hbm>> -> memref<1x4x8x256xi32, #tpu.memory_space<hbm>>
          %dma_wait3A_39 = tpu.memref_squeeze %dma_wait3A_38 : memref<1x4x8x256xi32, #tpu.memory_space<hbm>> -> memref<4x8x256xi32, #tpu.memory_space<hbm>>
          %dma_wait3A_40 = arith.constant 0 : i32
          %dma_wait3A_41 = arith.constant 0 : i32
          %dma_wait3A_42 = tpu.memref_slice %arg5[%arg0, %dma_wait3A_40, %add3A_27, %dma_wait3A_41] : memref<2x4x512x256xi32, #tpu.memory_space<hbm>> -> memref<1x4x8x256xi32, #tpu.memory_space<hbm>>
          %dma_wait3A_43 = tpu.memref_squeeze %dma_wait3A_42 : memref<1x4x8x256xi32, #tpu.memory_space<hbm>> -> memref<4x8x256xi32, #tpu.memory_space<hbm>>
          tpu.wait_dma2 semaphore(%run_scoped3A_29 : memref<!tpu.dma_semaphore, #tpu.memory_space<semaphore_mem>>) src(%run_scoped3A_4 : memref<4x8x256xi32, #tpu.memory_space<vmem>>) dst(%dma_wait3A_43 : memref<4x8x256xi32, #tpu.memory_space<hbm>>)
          tpu.yield
        }) : () -> ()
        %scan3A_28 = arith.constant 0 : i32
        scf.yield %scan3A_28 : i32
      }
      %scan3A_10 = arith.constant 4 : i32
      tpu.yield
    }) : () -> ()
    return
  }
}

</mosaic_0001>

<sc_bundles>
// kernel: ramlayer_sc.3.cloned.1.call-start
scs
__scs_entry_jumppad:
0x0: {  	(pc) =	sbr.rel $0x88, $3  }
0x1: {  	(tag) =	ssettag $0x0;
	lr =	simm.s32 $0x1  }
0x2: {  	[smem:$0x3F9E] =	sst lr;
	_ =	strace $0xD0000000  }
0x3: {  	_ = 	snop  }
0x4: {  	_ = 	snop  }
0x5: {  	_ = 	snop  }
0x6: {  	_ = 	snop  }
0x7: {  	_ = 	snop  }
__scs_overlays_trampoline_lowered:
0x8: {  	[smem:$0x3FAD] =	sst s0  }
0x9: {  	[smem:$0x3FAE] =	sst s1  }
0xa: {  	[smem:$0x3FAF] =	sst s2  }
0xb: {  	[smem:$0x3FB0] =	sst s3  }
0xc: {  	[smem:$0x3FB1] =	sst s4  }
0xd: {  	[smem:$0x3FB2] =	sst s5  }
0xe: {  	[smem:$0x3FB3] =	sst s6  }
0xf: {  	[smem:$0x3FB4] =	sst s7  }
0x10: {  	[smem:$0x3FB5] =	sst s8  }
0x11: {  	[smem:$0x3FB6] =	sst s9;
	s0 =	simm.s32 @!p0 $0x0  }
0x12: {  	s1 =	sld [smem:$0x3F9C];
	s0 =	simm.s32 @p0 $0x1  }
0x13: {  	[smem:$0x3FB7] =	sst s0;
	s0 =	simm.s32 @!p1 $0x0  }
0x14: {  	s2 =	sld [smem:$0x3F9B];
	s0 =	simm.s32 @p1 $0x1  }
0x15: {  	[smem:$0x3FB8] =	sst s0;
	s0 =	simm.s32 @!p2 $0x0  }
0x16: {  	s3 =	sld [smem:$0x3FDB];
	s0 =	simm.s32 @p2 $0x1  }
0x17: {  	s4 =	simm.s32 $0x1BF5;
	[smem:$0x3FBA] =	sst s0  }
0x18: {  	s0 =	sld [smem:$0x3F9D];
	_ =	swait.ge [sflag:s4], $0x0  }
0x19: {  	s7 =	sld [smem:$0x3F9E]  }
0x1a: {  	s8 =	sadd.s32 $0xFFFFE003, lr  }
0x1b: {  	s9 =	sadd.s32 $0xFFFFFEF7, lr;
	s5 =	simm.s32 $0xFFFFFFFF;
	p2 =	slt.u32 s8, $0xFFFFF086  }
0x1c: {  	p1 =	slt.u32 s9, $0xF7A;
	s5 =	simm.s32 @!p2 $0x0  }
0x1d: {  	s5 =	simm.s32 @p1 $0x1;
	p0 =	seq.s32 s7, s2  }
0x1e: {  	s7 =	smul.u32 @!p0 $0xF7A, s2;
	p2 =	seq.s32 @!p0 s5, $0x0  }
0x1f: {  	s9 =	smul.u32 $0xF7A, s1;
	s8 =	simm.s32 @!p0 $0x1BF5;
	p2 =	por !p2, p0  }
0x20: {  	[sflag:s8] =	ssyncset.s32 @!p0 $0xFFFFF086;
	s6 =	sadd.s32 @!p0 s3, s7;
	s7 =	simm.s32 @!p0 $0x108  }
0x21: {  	s3 =	sadd.s32 s3, s9;
	s6 =	sadd.s32 @!p0 $0x88, s6;
	s7 =	simm.s32 @p2 $0x1082  }
0x22: {  	[simem:s7], [sflag:s8] =	dma.local @!p0 [hbm:s6], $0xF7A  }
0x23: {  	s9 =	sor.u32 $0xD0000000, s2;
	s6 =	simm.s32 $0x108;
	_ =	swait.ge @!p0 [sflag:s8], $0x0  }
0x24: {  	s3 =	sadd.s32 $0x88, s3;
	s6 =	simm.s32 @!p1 $0x1082;
	[sflag:s4] =	ssyncset.s32 $0xFFFFF086  }
0x25: {  	[simem:s6], [sflag:s4] =	dma.local [hbm:s3], $0xF7A  }
0x26: {  	[smem:$0x3F9E] =	sst s1;
	(tag) =	ssettag s2;
	_ =	strace s9  }
0x27: {  	s1 =	sld [smem:$0x3FAE]  }
0x28: {  	s2 =	sld [smem:$0x3FAF]  }
0x29: {  	s4 =	sld [smem:$0x3FB1]  }
0x2a: {  	p0 =	seq.s32 s5, $0x0;
	s5 =	sld [smem:$0x3FB2]  }
0x2b: {  	s6 =	sld [smem:$0x3FB3]  }
0x2c: {  	s7 =	sld [smem:$0x3FB4]  }
0x2d: {  	s3 =	simm.s32 $0x108;
	s8 =	sld [smem:$0x3FB5]  }
0x2e: {  	s3 =	simm.s32 @!p0 $0x1082;
	s9 =	sld [smem:$0x3FB6]  }
0x2f: {  	lr =	sadd.s32 s0, s3;
	s0 =	sld [smem:$0x3FAD]  }
0x30: {  	s3 =	sld [smem:$0x3FB0]  }
0x31: {  	[smem:$0x3FB9] =	sst s10  }
0x32: {  	s10 =	sld [smem:$0x3FB7];
	_ =	sdelay $0x3  }
0x33: {  	p0 =	seq.s32 s10, $0x1;
	s10 =	sld [smem:$0x3FB9];
	_ =	sdelay $0x3  }
0x34: {  	[smem:$0x3FB9] =	sst s10  }
0x35: {  	s10 =	sld [smem:$0x3FB8];
	_ =	sdelay $0x3  }
0x36: {  	p1 =	seq.s32 s10, $0x1;
	s10 =	sld [smem:$0x3FB9];
	_ =	sdelay $0x3  }
0x37: {  	[smem:$0x3FB9] =	sst s10  }
0x38: {  	s10 =	sld [smem:$0x3FBA]  }
0x39: {  	_ = 	snop;
	(pc) =	sbr.ind lr, $3  }
0x3a: {  	_ = 	snop  }
0x3b: {  	_ = 	snop  }
0x3c: {  	p2 =	seq.s32 s10, $0x1;
	s10 =	sld [smem:$0x3FB9]  }
0x3d: {  	_ =	shalt  }
0x3e: {  	_ =	shalt  }
0x3f: {  	_ =	shalt  }
0x40: {  	_ =	shalt  }
0x41: {  	_ =	shalt  }
0x42: {  	_ =	shalt  }
0x43: {  	_ =	shalt  }
0x44: {  	_ =	shalt  }
0x45: {  	_ =	shalt  }
0x46: {  	_ =	shalt  }
0x47: {  	_ =	shalt  }
0x48: {  	_ =	shalt  }
0x49: {  	_ =	shalt  }
0x4a: {  	_ =	shalt  }
0x4b: {  	_ =	shalt  }
0x4c: {  	_ =	shalt  }
0x4d: {  	_ =	shalt  }
0x4e: {  	_ =	shalt  }
0x4f: {  	_ =	shalt  }
0x50: {  	_ =	shalt  }
0x51: {  	_ =	shalt  }
0x52: {  	_ =	shalt  }
0x53: {  	_ =	shalt  }
0x54: {  	_ =	shalt  }
0x55: {  	_ =	shalt  }
0x56: {  	_ =	shalt  }
0x57: {  	_ =	shalt  }
0x58: {  	_ =	shalt  }
0x59: {  	_ =	shalt  }
0x5a: {  	_ =	shalt  }
0x5b: {  	_ =	shalt  }
0x5c: {  	_ =	shalt  }
0x5d: {  	_ =	shalt  }
0x5e: {  	_ =	shalt  }
0x5f: {  	_ =	shalt  }
0x60: {  	_ =	shalt  }
0x61: {  	_ =	shalt  }
0x62: {  	_ =	shalt  }
0x63: {  	_ =	shalt  }
0x64: {  	_ =	shalt  }
0x65: {  	_ =	shalt  }
0x66: {  	_ =	shalt  }
0x67: {  	_ =	shalt  }
0x68: {  	_ =	shalt  }
0x69: {  	_ =	shalt  }
0x6a: {  	_ =	shalt  }
0x6b: {  	_ =	shalt  }
0x6c: {  	_ =	shalt  }
0x6d: {  	_ =	shalt  }
0x6e: {  	_ =	shalt  }
0x6f: {  	_ =	shalt  }
0x70: {  	_ =	shalt  }
0x71: {  	_ =	shalt  }
0x72: {  	_ =	shalt  }
0x73: {  	_ =	shalt  }
0x74: {  	_ =	shalt  }
0x75: {  	_ =	shalt  }
0x76: {  	_ =	shalt  }
0x77: {  	_ =	shalt  }
0x78: {  	_ =	shalt  }
0x79: {  	_ =	shalt  }
0x7a: {  	_ =	shalt  }
0x7b: {  	_ =	shalt  }
0x7c: {  	_ =	shalt  }
0x7d: {  	_ =	shalt  }
0x7e: {  	_ =	shalt  }
0x7f: {  	_ =	shalt  }
0x80: {  	_ =	shalt  }
0x81: {  	_ =	shalt  }
0x82: {  	_ =	shalt  }
0x83: {  	_ =	shalt  }
0x84: {  	_ =	shalt  }
0x85: {  	_ =	shalt  }
0x86: {  	_ =	shalt  }
0x87: {  	_ =	shalt  }
.Lfunc_end0:
.L_simem_size_0:
called_computation_lowered:
.L_overlay_start_0:
0x88: {  	s2 =	sld [smem:$0x3FD9]  }
0x89: {  	s3 =	sld [smem:$0x3FFE];
	_ =	sdelay $0x1  }
0x8a: {  	s1 =	srdreg.scid  }
0x8b: {  	s0 =	sand.u32 $0x1, s1  }
0x8c: {  	s17 =	sshll.u32 s0, $0xA;
	s2 =	sadd.s32 s3, s2  }
0x8d: {  	s2 =	sadd.s32 s2, s17  }
0x8e: {  	[smem:$0x3FC5] =	sst s2  }
0x8f: {  	_ = 	snop  }
0x90: {  	s2 =	sld [smem:$0x3FD0];
	(tm) =	ssettm $0x1  }
0x91: {  	s18 =	sld [smem:$0x3FFB];
	_ =	sdelay $0x3  }
0x92: {  	_ =	strace s18  }
0x93: {  	s3 =	sld [smem:$0x3FFC];
	_ =	sdelay $0x3  }
0x94: {  	_ =	strace s3  }
0x95: {  	s3 =	sld [smem:$0x3FFD];
	_ =	sdelay $0x3  }
0x96: {  	_ =	strace s3  }
0x97: {  	_ =	strace $0x8FFFFFFF  }
0x98: {  	s19 =	sld [smem:$0x3FDB];
	_ =	sdelay $0x1  }
0x99: {  	s4 =	simm.s32 $_scs_section_size  }
0x9a: {  	s5 =	simm.s32 $_size__tile_overlayer_lowered;
	s6 =	simm.s32 $_tile_overlayer_lowered  }
0x9b: {  	s22 =	simm.s32 $0x1BFF;
	s21 =	sshll.u32 s6, $0x1;
	s3 =	sadd.s32 s4, s19  }
0x9c: {  	s7 =	simm.s32 $0x0;
	s20 =	sshll.u32 s5, $0x1;
	s5 =	sadd.s32 s21, s3  }
0x9d: {  	[timem:s7], [sflag:s22] =	dma.local [hbm:s5], s20  }
0x9e: {  	_ =	swait.ge [sflag:s22], s20  }
0x9f: {  	s4 =	ssub.s32 $0x0, s20;
	[sflag:s22] =	ssyncset.done $0x0  }
0xa0: {  	[sflag:s22] =	ssyncadd.s32 s4;
	_ =	sdelay $0x1  }
0xa1: {  	s23 =	simm.s32 $0x1B8B  }
0xa2: {  	_ =	swait.ge [sflag:s23], $0x1  }
0xa3: {  	[sflag:s23] =	ssyncset.done $0x0  }
0xa4: {  	s25 =	simm.s32 $0x1B8E;
	s24 =	sld [smem:$0x3FFE];
	[sflag:s23] =	ssyncadd.s32 $0xFFFFFFFF  }
0xa5: {  	s26 =	simm.s32 $execute0_lowered;
	[smem:$0x3FD2] =	sst s25  }
0xa6: {  	s5 =	sshll.u32 s26, $0x1;
	_ =	strace $0x80000046;
	[dreg:$0x1] =	wrdreg $0xFFFFFFFF  }
0xa7: {  	s28 =	simm.s32 $_size_execute0_lowered;
	s3 =	sadd.s32 s3, s5;
	[dreg:$0x0] =	wrdreg $0x0  }
0xa8: {  	s5 =	sshll.u32 s28, $0x1;
	[dreg:$0x2] =	wrdreg s3  }
0xa9: {  	[dreg:$0x3] =	wrdreg s5  }
0xaa: {  	[dreg:$0x4] =	wrdreg $0xC0  }
0xab: {  	_ =	task [dreg:s7], $0x5FFFF  }
0xac: {  	[dreg:$0x1] =	wrdreg $0xFFFFFFFF  }
0xad: {  	[dreg:$0x0] =	wrdreg $0x60  }
0xae: {  	[dreg:$0x2] =	wrdreg s24  }
0xaf: {  	[dreg:$0x3] =	wrdreg s2  }
0xb0: {  	[dreg:$0x4] =	wrdreg $0x0  }
0xb1: {  	[dreg:$0x5] =	wrdreg $0x9  }
0xb2: {  	_ =	task.clear_ibuf [dreg:s7], $0x6FFFF;
	_ =	strace $0x90000046  }
0xb3: {  	s29 =	simm.s32 $0x9;
	_ =	strace $0x80000048  }
0xb4: {  	_ =	swait.ge [sflag:s29], $0x1  }
0xb5: {  	[sflag:s29] =	ssyncadd.s32 $0xFFFFFFFF  }
0xb6: {  	_ =	strace $0x90000048  }
0xb7: {  	_ =	sfence  }
0xb8: {  	s30 =	sld [smem:$0x0];
	_ =	sdelay $0x2  }
0xb9: {  	s31 =	sshll.u32 s1, $0xD;
	s1 =	sshrl.u32 s1, $0x2  }
0xba: {  	s3 =	sand.u32 $0x4000, s31;
	s1 =	sadd.s32 s1, s30  }
0xbb: {  	s0 =	sor.u32 s3, s0;
	s1 =	sshll.u32 s1, $0x11  }
0xbc: {  	s0 =	sor.u32 s1, s0  }
0xbd: {  	s0 =	sadd.s32 $0x8F2B, s0  }
0xbe: {  	[sflag:s0] =	ssyncadd.remote.s32 $0x1  }
0xbf: {  	_ =	sfence.sel $0xFFFF  }
0xc0: {  	[dreg:$0x0] =	wrdreg $0xFFFFFFFF;
	(pc) =	sbr.abs _section_cstart, $3  }
0xc1: {  	[dreg:$0x1] =	wrdreg $0xFFFFFFFF  }
0xc2: {  	_ =	task.clear_ibuf [dreg:s7], $0x2FFFF;
	_ =	strace $0x9FFFFFFF  }
0xc3: {  	(tm) =	ssettm $0x7FFFFFFF  }
tec
execute0_lowered:
.L_overlay_start_1:
0x0: {  	(tag) =	ssettag $0x1  }
0x1: {  	s0 =	rddreg [dreg:$0x0]  }
0x2: {  	s2 =	rddreg [dreg:$0x1]  }
0x3: {  	s1 =	rddreg [dreg:$0x2];
	s3 =	simm.s32 $0x0;
	s4 =	srdreg.scid  }
0x4: {  	s10 =	stileid.u32;
	s13 =	simm.s32 $0x10000;
	s14 =	simm.s32 $0x1  }
0x5: {  	s15 =	simm.s32 $0x18000;
	s17 =	simm.s32 $0x20;
	s18 =	simm.s32 $0x800  }
0x6: {  	s19 =	simm.s32 $0x19000;
	s20 =	simm.s32 $0xFF;
	s21 =	simm.s32 $0x2  }
0x7: {  	s22 =	simm.s32 $0x20000;
	s23 =	simm.s32 $0x1C000;
	[smem:$0x7FF] =	sst s3  }
0x8: {  	s9 =	sand.u32 $0x1, s4;
	s26 =	sshll.u32 s10, $0x1;
	s4 =	sadd.s32 $0xC00, s0  }
0x9: {  	s11 =	sshll.u32 s10, $0x7;
	_ =	strace $0x80000047;
	s5 =	sshll.u32 s9, $0xC  }
0xa: {  	s6 =	ssub.s32 $0x2, s9;
	s7 =	sadd.s32 s26, s0;
	s31 =	sshll.u32 s9, $0x9  }
0xb: {  	s9 =	sshll.u32 s9, $0x10;
	s16 =	sshrl.u32 s11, $0x2;
	s8 =	sadd.s32 s5, s0  }
0xc: {  	s28 =	sshrl.u32 s6, $0x1;
	s30 =	sadd.s32 $0x80C00, s7;
	s7 =	sshll.u32 s10, $0x5  }
0xd: {  	s9 =	sadd.s32 s2, s9;
	s29 =	ssub.s32 s6, s28;
	[dreg:$0x4] =	wrdreg s30  }
0xe: {  	v0 =	vimm.s32 $0x0;
	s6 =	sadd.s32 $0x90C00, s8;
	s8 =	sor.u32 s7, s31;
	s10 =	smax.u32 s29, $0x1  }
.LBB2_1:
0xf: {  	s0 =	rddreg [dreg:$0x4];
	s2 =	simm.s32 $0x10;
	s5 =	simm.s32 $0x100  }
0x10: {  	[tilespmem:s13], [sflag:$0x1] =	stream.strided.gather [hbm4b:s0+s2], $0x8000, s5, s2, $0x38;
	[tilespmem:$0x1E000] =	vst v63  }
0x11: {  	_ =	swait.ge [sflag:s14], $0x8000  }
0x12: {  	[sflag:s14] =	ssyncset.done $0x0  }
0x13: {  	s24 =	simm.s32 $0x0;
	[sflag:s14] =	ssyncadd.s32 $0xFFFF8000  }
.LBB2_2:
0x14: {  	s0 =	sshll.u32 s24, $0x9  }
0x15: {  	s2 =	simm.s32 $0x0;
	s0 =	sadd.s32 s0, s6  }
0x16: {  	[tilespmem:s15], [sflag:$0x1] =	stream.linear.gather [hbm4b:s0+s2], $0x1000, $0x38;
	[tilespmem:$0x1E000] =	vst v63  }
0x17: {  	s11 =	simm.s32 $0x30;
	s12 =	sand.u32 $0xF00, s2;
	_ =	swait.ge [sflag:s14], $0x1000  }
0x18: {  	s11 =	sand.u32 $0xF0, s11;
	s0 =	sor.u32 $0x18000, s12;
	[sflag:s14] =	ssyncset.done $0x0  }
0x19: {  	s11 =	sor.u32 s11, s0;
	[sflag:s14] =	ssyncadd.s32 $0xFFFFF000  }
0x1a: {  	v1 =	vld [tilespmem:s11+$0x0];
	_ =	sdelay $0x2  }
0x1b: {  	s2 =	sand.u32 $0xC0, s2  }
0x1c: {  	s2 =	sor.u32 s2, s0  }
0x1d: {  	v3 =	vld [tilespmem:s2+$0x0];
	v1 =	vshll.u32 v1, $0x6  }
0x1e: {  	v1 =	vshra.s32 v1, $0x2  }
0x1f: {  	s25 =	simm.s32 $0x10;
	v2 =	vadd.s32 $0x10000, v1  }
0x20: {  	s2 =	sand.u32 $0xD0, s25;
	(v2sf) =	vpush v2, $0x6  }
0x21: {  	s2 =	sor.u32 s2, s0;
	(v2sf) =	vpush v2, $0x7  }
0x22: {  	v3 =	vshll.u32 v3, $0x6;
	v1 =	vld [tilespmem:s2+$0x0];
	(v2sf) =	vpush v2, $0x8  }
0x23: {  	s26 =	simm.s32 $0x20;
	v3 =	vshra.s32 v3, $0x2;
	(v2sf) =	vpush v2, $0x9  }
0x24: {  	s2 =	sand.u32 $0xE0, s26;
	v4 =	vadd.s32 $0x10000, v3;
	(v2sf) =	vpush v2, $0xA  }
0x25: {  	s0 =	sor.u32 s2, s0;
	(v2sf) =	vpush v4, $0x0  }
0x26: {  	v5 =	vld [tilespmem:s0+$0x0];
	(v2sf) =	vpush v2, $0xB  }
0x27: {  	v1 =	vshll.u32 v1, $0x6;
	(v2sf) =	vpush v4, $0x1  }
0x28: {  	v1 =	vshra.s32 v1, $0x2;
	(v2sf) =	vpush v4, $0x6  }
0x29: {  	v3 =	vadd.s32 $0x10000, v1;
	(v2sf) =	vpush v4, $0x7  }
0x2a: {  	(v2sf) =	vpush v3, $0x0  }
0x2b: {  	v1 =	vshll.u32 v5, $0x6;
	(v2sf) =	vpush v3, $0x1  }
0x2c: {  	v1 =	vshra.s32 v1, $0x2;
	(v2sf) =	vpush v3, $0x6  }
0x2d: {  	v1 =	vadd.s32 $0x10000, v1;
	(v2sf) =	vpush v3, $0x7  }
0x2e: {  	(v2sf) =	vpush v1, $0x0  }
0x2f: {  	(v2sf) =	vpush v1, $0x1;
	s31 =	spop (v2sf)  }
0x30: {  	v5 =	vld [tilespmem:s31+$0x0];
	(v2sf) =	vpush v1, $0x6;
	s2 =	spop (v2sf)  }
0x31: {  	v6 =	vld [tilespmem:s2+$0x0];
	(v2sf) =	vpush v1, $0x7;
	s5 =	spop (v2sf)  }
0x32: {  	v7 =	vld [tilespmem:s5+$0x0];
	(v2sf) =	vpush v2, $0x0;
	s11 =	spop (v2sf)  }
0x33: {  	v8 =	vld [tilespmem:s11+$0x0];
	(v2sf) =	vpush v2, $0x1;
	s12 =	spop (v2sf)  }
0x34: {  	v9 =	vld [tilespmem:s12+$0x0];
	s25 =	spop (v2sf);
	(v2sf) =	vpush v4, $0x2  }
0x35: {  	v10 =	vld [tilespmem:s25+$0x0];
	(v2sf) =	vpush v4, $0x8;
	s26 =	spop (v2sf)  }
0x36: {  	v11 =	vld [tilespmem:s26+$0x0];
	s31 =	spop (v2sf);
	(v2sf) =	vpush v3, $0x2  }
0x37: {  	v12 =	vld [tilespmem:s31+$0x0];
	s2 =	spop (v2sf);
	(v2sf) =	vpush v3, $0x8  }
0x38: {  	v13 =	vld [tilespmem:s2+$0x0];
	s5 =	spop (v2sf);
	(v2sf) =	vpush v1, $0x2  }
0x39: {  	v14 =	vld [tilespmem:s5+$0x0];
	s11 =	spop (v2sf);
	(v2sf) =	vpush v1, $0x8  }
0x3a: {  	v15 =	vld [tilespmem:s11+$0x0];
	s12 =	spop (v2sf)  }
0x3b: {  	(v2sf) =	vpush v2, $0x2;
	v16 =	vld [tilespmem:s12+$0x0];
	s25 =	spop (v2sf)  }
0x3c: {  	v17 =	vld [tilespmem:s25+$0x0];
	s26 =	spop (v2sf)  }
0x3d: {  	(v2sf) =	vpush v4, $0x3;
	v18 =	vld [tilespmem:s26+$0x0];
	s31 =	spop (v2sf)  }
0x3e: {  	(v2sf) =	vpush v4, $0x9;
	v19 =	vld [tilespmem:s31+$0x0];
	s2 =	spop (v2sf)  }
0x3f: {  	(v2sf) =	vpush v3, $0x3;
	v20 =	vld [tilespmem:s2+$0x0];
	s5 =	spop (v2sf)  }
0x40: {  	(v2sf) =	vpush v3, $0x9;
	v21 =	vld [tilespmem:s5+$0x0];
	s11 =	spop (v2sf)  }
0x41: {  	v5 =	vshll.u32 v5, $0x5;
	v6 =	vshll.u32 v6, $0x4;
	(v2sf) =	vpush v1, $0x3;
	v22 =	vld [tilespmem:s11+$0x0];
	s12 =	spop (v2sf)  }
0x42: {  	v5 =	vadd.s32 v5, v6;
	v6 =	vshll.u32 v7, $0x3;
	(v2sf) =	vpush v1, $0x9;
	v23 =	vld [tilespmem:s12+$0x0];
	s25 =	spop (v2sf)  }
0x43: {  	v5 =	vadd.s32 v6, v5;
	v6 =	vshll.u32 v8, $0x2;
	(v2sf) =	vpush v2, $0x3;
	v8 =	vld [tilespmem:s25+$0x0];
	s26 =	spop (v2sf)  }
0x44: {  	v5 =	vadd.s32 v6, v5;
	(v2sf) =	vpush v4, $0x4;
	v6 =	vld [tilespmem:s26+$0x0];
	s31 =	spop (v2sf)  }
0x45: {  	v7 =	vshll.u32 v9, $0x1;
	v9 =	vshll.u32 v10, $0x5;
	(v2sf) =	vpush v4, $0xA;
	v10 =	vld [tilespmem:s31+$0x0];
	s2 =	spop (v2sf)  }
0x46: {  	v5 =	vadd.s32 v7, v5;
	v12 =	vshll.u32 v12, $0x4;
	(v2sf) =	vpush v3, $0x4;
	v24 =	vld [tilespmem:s2+$0x0];
	s5 =	spop (v2sf);
	s2 =	simm.s32 $0x40  }
0x47: {  	v7 =	vadd.s32 v11, v5;
	v5 =	vadd.s32 v9, v12;
	s12 =	simm.s32 $0x70;
	v9 =	vld [tilespmem:s5+$0x0];
	s11 =	spop (v2sf);
	s25 =	sand.u32 $0xF00, s2;
	(v2sf) =	vpush v3, $0xA  }
0x48: {  	v11 =	vshll.u32 v13, $0x5;
	v12 =	vshll.u32 v14, $0x4;
	s12 =	sand.u32 $0xF0, s12;
	v13 =	vld [tilespmem:s11+$0x0];
	s26 =	spop (v2sf);
	s11 =	sor.u32 $0x18000, s25;
	(v2sf) =	vpush v1, $0x4  }
0x49: {  	v14 =	vshll.u32 v15, $0x5;
	v15 =	vshll.u32 v16, $0x4;
	v16 =	vld [tilespmem:s26+$0x0];
	s31 =	sor.u32 s12, s11;
	(v2sf) =	vpush v1, $0xA  }
0x4a: {  	v11 =	vadd.s32 v11, v12;
	v12 =	vadd.s32 v14, v15;
	s2 =	sand.u32 $0xC0, s2;
	s25 =	simm.s32 $0x50;
	s5 =	spop (v2sf);
	v14 =	vld [tilespmem:s31+$0x0];
	(v2sf) =	vpush v2, $0x4  }
0x4b: {  	v15 =	vshll.u32 v17, $0x5;
	v17 =	vshll.u32 v18, $0x4;
	s26 =	simm.s32 $0x60;
	s2 =	sor.u32 s2, s11;
	v18 =	vld [tilespmem:s5+$0x0];
	s31 =	sand.u32 $0xD0, s25;
	(v2sf) =	vpush v4, $0x5  }
0x4c: {  	v19 =	vshll.u32 v19, $0x5;
	v20 =	vshll.u32 v20, $0x4;
	s0 =	sand.u32 $0xE0, s26;
	v25 =	vld [tilespmem:s2+$0x0];
	s12 =	sor.u32 s31, s11;
	s5 =	spop (v2sf);
	(v2sf) =	vpush v4, $0xB  }
0x4d: {  	v8 =	vshll.u32 v8, $0x4;
	s0 =	sor.u32 s0, s11;
	v4 =	vadd.s32 v15, v17;
	v17 =	vld [tilespmem:s12+$0x0];
	s25 =	spop (v2sf);
	(v2sf) =	vpush v3, $0x5  }
0x4e: {  	v15 =	vadd.s32 v19, v20;
	v19 =	vshll.u32 v21, $0x5;
	v45 =	vld [tilespmem:s0+$0x0];
	s26 =	spop (v2sf);
	(v2sf) =	vpush v3, $0xB  }
0x4f: {  	v20 =	vshll.u32 v22, $0x4;
	v46 =	vld [tilespmem:s25+$0x0];
	s31 =	spop (v2sf);
	v14 =	vshll.u32 v14, $0x6;
	(v2sf) =	vpush v1, $0x5  }
0x50: {  	v3 =	vadd.s32 v19, v20;
	v19 =	vld [tilespmem:s5+$0x0];
	s5 =	spop (v2sf);
	v14 =	vshra.s32 v14, $0x2;
	(v2sf) =	vpush v1, $0xB  }
0x51: {  	v20 =	vshll.u32 v23, $0x5;
	s12 =	spop (v2sf);
	v1 =	vadd.s32 $0x10000, v14;
	v14 =	vld [tilespmem:s26+$0x0];
	(v2sf) =	vpush v2, $0x5  }
0x52: {  	v2 =	vshll.u32 v6, $0x3;
	v6 =	vadd.s32 v20, v8;
	v8 =	vld [tilespmem:s31+$0x0];
	s25 =	spop (v2sf);
	(v2sf) =	vpush v1, $0x6  }
0x53: {  	v20 =	vld [tilespmem:s12+$0x0];
	v5 =	vadd.s32 v2, v5;
	v2 =	vshll.u32 v10, $0x3;
	s26 =	spop (v2sf);
	(v2sf) =	vpush v1, $0x7  }
0x54: {  	v10 =	vld [tilespmem:s5+$0x0];
	v11 =	vadd.s32 v2, v11;
	v2 =	vshll.u32 v25, $0x6;
	s31 =	spop (v2sf);
	(v2sf) =	vpush v1, $0x8  }
0x55: {  	v47 =	vshll.u32 v24, $0x3;
	v48 =	vld [tilespmem:s25+$0x0];
	v2 =	vshra.s32 v2, $0x2;
	s5 =	spop (v2sf);
	(v2sf) =	vpush v1, $0x9  }
0x56: {  	v12 =	vadd.s32 v47, v12;
	v49 =	vld [tilespmem:s26+$0x0];
	v2 =	vadd.s32 $0x10000, v2;
	(v2sf) =	vpush v1, $0xA;
	s12 =	spop (v2sf)  }
0x57: {  	v9 =	vshll.u32 v9, $0x3;
	v13 =	vshll.u32 v13, $0x3;
	v50 =	vld [tilespmem:s31+$0x0];
	(v2sf) =	vpush v2, $0x0;
	s25 =	spop (v2sf)  }
0x58: {  	v9 =	vadd.s32 v9, v4;
	v13 =	vadd.s32 v13, v15;
	v15 =	vld [tilespmem:s5+$0x0];
	(v2sf) =	vpush v1, $0xB;
	s26 =	spop (v2sf)  }
0x59: {  	v4 =	vshll.u32 v16, $0x3;
	v16 =	vshll.u32 v17, $0x6;
	v17 =	vld [tilespmem:s12+$0x0];
	(v2sf) =	vpush v2, $0x1;
	s31 =	spop (v2sf)  }
0x5a: {  	v26 =	vadd.s32 v4, v3;
	v3 =	vshra.s32 v16, $0x2;
	v16 =	vld [tilespmem:s25+$0x0];
	(v2sf) =	vpush v2, $0x6;
	s5 =	spop (v2sf)  }
0x5b: {  	v21 =	vshll.u32 v45, $0x6;
	v4 =	vadd.s32 $0x10000, v3;
	v27 =	vld [tilespmem:s26+$0x0];
	(v2sf) =	vpush v2, $0x7;
	s12 =	spop (v2sf)  }
0x5c: {  	v3 =	vshll.u32 v18, $0x3;
	v18 =	vshra.s32 v21, $0x2;
	v51 =	vld [tilespmem:s31+$0x0];
	(v2sf) =	vpush v4, $0x0;
	s25 =	spop (v2sf)  }
0x5d: {  	v6 =	vadd.s32 v3, v6;
	v3 =	vadd.s32 $0x10000, v18;
	v18 =	vld [tilespmem:s5+$0x0];
	(v2sf) =	vpush v4, $0x1;
	s26 =	spop (v2sf)  }
0x5e: {  	v22 =	vshll.u32 v46, $0x2;
	v19 =	vshll.u32 v19, $0x2;
	v28 =	vld [tilespmem:s12+$0x0];
	(v2sf) =	vpush v4, $0x6;
	s31 =	spop (v2sf)  }
0x5f: {  	v5 =	vadd.s32 v19, v5;
	v11 =	vadd.s32 v22, v11;
	v19 =	vld [tilespmem:s25+$0x0];
	(v2sf) =	vpush v4, $0x7;
	s0 =	spop (v2sf)  }
0x60: {  	v14 =	vshll.u32 v14, $0x2;
	v8 =	vshll.u32 v8, $0x2;
	v52 =	vld [tilespmem:s26+$0x0];
	(v2sf) =	vpush v3, $0x0;
	s28 =	spop (v2sf)  }
0x61: {  	v20 =	vshll.u32 v20, $0x2;
	v12 =	vadd.s32 v14, v12;
	v14 =	vld [tilespmem:s31+$0x0];
	(v2sf) =	vpush v3, $0x1;
	s5 =	spop (v2sf)  }
0x62: {  	v10 =	vshll.u32 v10, $0x2;
	v8 =	vadd.s32 v8, v9;
	v9 =	vld [tilespmem:s5+$0x0];
	(v2sf) =	vpush v3, $0x6;
	s12 =	spop (v2sf)  }
0x63: {  	v24 =	vshll.u32 v48, $0x2;
	v10 =	vadd.s32 v10, v13;
	v13 =	vld [tilespmem:s12+$0x0];
	(v2sf) =	vpush v3, $0x7;
	s25 =	spop (v2sf)  }
0x64: {  	v20 =	vadd.s32 v20, v26;
	v24 =	vadd.s32 v24, v6;
	v53 =	vld [tilespmem:s25+$0x0];
	(v2sf) =	vpush v1, $0x0;
	s26 =	spop (v2sf)  }
0x65: {  	v6 =	vshll.u32 v49, $0x1;
	v54 =	vshll.u32 v50, $0x1;
	v55 =	vld [tilespmem:s26+$0x0];
	(v2sf) =	vpush v1, $0x1;
	s31 =	spop (v2sf)  }
0x66: {  	v29 =	vadd.s32 v6, v5;
	v15 =	vshll.u32 v15, $0x1;
	v30 =	vld [tilespmem:s31+$0x0];
	s5 =	spop (v2sf);
	(v2sf) =	vpush v2, $0x2  }
0x67: {  	v11 =	vadd.s32 v54, v11;
	v5 =	vshll.u32 v17, $0x1;
	v17 =	vld [tilespmem:s5+$0x0];
	(v2sf) =	vpush v2, $0x8;
	s11 =	spop (v2sf)  }
0x68: {  	v12 =	vadd.s32 v15, v12;
	v6 =	vshll.u32 v16, $0x1;
	v15 =	vld [tilespmem:s11+$0x0];
	s12 =	spop (v2sf);
	(v2sf) =	vpush v4, $0x2  }
0x69: {  	v8 =	vadd.s32 v5, v8;
	v16 =	vshll.u32 v27, $0x1;
	v56 =	vld [tilespmem:s12+$0x0];
	s25 =	spop (v2sf);
	(v2sf) =	vpush v4, $0x8  }
0x6a: {  	v10 =	vadd.s32 v6, v10;
	v5 =	vshll.u32 v51, $0x1;
	v57 =	vld [tilespmem:s25+$0x0];
	s26 =	spop (v2sf);
	(v2sf) =	vpush v3, $0x2  }
0x6b: {  	v6 =	vadd.s32 v16, v20;
	v5 =	vadd.s32 v5, v24;
	v16 =	vld [tilespmem:s26+$0x0];
	s31 =	spop (v2sf);
	(v2sf) =	vpush v3, $0x8  }
0x6c: {  	v9 =	vshll.u32 v9, $0x5;
	v13 =	vshll.u32 v13, $0x4;
	v20 =	vld [tilespmem:s31+$0x0];
	s5 =	spop (v2sf);
	(v2sf) =	vpush v1, $0x2  }
0x6d: {  	v18 =	vadd.s32 v18, v29;
	v9 =	vadd.s32 v9, v13;
	v13 =	vshll.u32 v53, $0x3;
	v58 =	vld [tilespmem:s5+$0x0];
	s11 =	spop (v2sf)  }
0x6e: {  	v11 =	vadd.s32 v28, v11;
	v9 =	vadd.s32 v13, v9;
	v13 =	vshll.u32 v55, $0x2;
	v59 =	vld [tilespmem:s11+$0x0];
	s12 =	spop (v2sf)  }
0x6f: {  	v12 =	vadd.s32 v19, v12;
	v9 =	vadd.s32 v13, v9;
	v13 =	vshll.u32 v30, $0x1;
	v19 =	vld [tilespmem:s12+$0x0];
	s25 =	spop (v2sf)  }
0x70: {  	v22 =	vadd.s32 v52, v8;
	v60 =	vadd.s32 v14, v10;
	v8 =	vadd.s32 v13, v9;
	v13 =	vld [tilespmem:s25+$0x0];
	s26 =	spop (v2sf)  }
0x71: {  	v9 =	vshll.u32 v17, $0x5;
	v61 =	vadd.s32 v15, v8;
	(v2sf) =	vpush v2, $0x3;
	v14 =	vld [tilespmem:s26+$0x0];
	s31 =	spop (v2sf)  }
0x72: {  	v8 =	vshll.u32 v56, $0x4;
	v10 =	vshll.u32 v57, $0x5;
	v15 =	vshll.u32 v16, $0x4;
	v16 =	vld [tilespmem:s31+$0x0];
	s5 =	spop (v2sf)  }
0x73: {  	(v2sf) =	vpush v2, $0x9;
	v9 =	vadd.s32 v9, v8;
	v8 =	vadd.s32 v10, v15;
	v17 =	vld [tilespmem:s5+$0x0];
	s11 =	spop (v2sf)  }
0x74: {  	s25 =	simm.s32 $0x19040;
	v10 =	vshll.u32 v20, $0x5;
	v15 =	vshll.u32 v58, $0x4;
	(v2sf) =	vpush v4, $0x3;
	v20 =	vld [tilespmem:s11+$0x0];
	s12 =	spop (v2sf)  }
0x75: {  	[tilespmem:s25+$0x30] =	vst v7;
	v62 =	vshll.u32 v59, $0x5;
	v19 =	vshll.u32 v19, $0x4;
	v63 =	vld [tilespmem:s12+$0x0];
	s26 =	spop (v2sf);
	(v2sf) =	vpush v4, $0x9  }
0x76: {  	[tilespmem:s25+$0xFFFFFFC0] =	vst v18;
	v7 =	vadd.s32 v10, v15;
	v10 =	vadd.s32 v62, v19;
	v18 =	vld [tilespmem:s26+$0x0];
	s31 =	spop (v2sf);
	(v2sf) =	vpush v3, $0x3  }
0x77: {  	[tilespmem:s25+$0xFFFFFFD0] =	vst v11;
	v11 =	vshll.u32 v13, $0x5;
	v13 =	vshll.u32 v14, $0x4;
	v15 =	vld [tilespmem:s31+$0x0];
	s5 =	spop (v2sf);
	(v2sf) =	vpush v3, $0x9  }
0x78: {  	[tilespmem:s25+$0xFFFFFFE0] =	vst v12;
	v12 =	vshll.u32 v16, $0x5;
	v14 =	vld [tilespmem:s5+$0x0];
	v16 =	vshll.u32 v17, $0x4;
	s11 =	spop (v2sf);
	(v2sf) =	vpush v1, $0x3  }
0x79: {  	[tilespmem:s25+$0xFFFFFFF0] =	vst v22;
	v11 =	vadd.s32 v11, v13;
	v17 =	vld [tilespmem:s11+$0x0];
	v12 =	vadd.s32 v12, v16;
	(v2sf) =	vpush v2, $0x4;
	s12 =	spop (v2sf)  }
0x7a: {  	[tilespmem:s25+$0x0] =	vst v60;
	s26 =	simm.s32 $0x190C0;
	v13 =	vshll.u32 v20, $0x5;
	v16 =	vld [tilespmem:s12+$0x0];
	v20 =	vshll.u32 v63, $0x4;
	(v2sf) =	vpush v2, $0xA;
	s31 =	spop (v2sf)  }
0x7b: {  	s29 =	simm.s32 $0x4;
	s30 =	simm.s32 $0x80;
	[tilespmem:s26+$0x30] =	vst v61;
	v19 =	vshll.u32 v18, $0x3;
	v18 =	vld [tilespmem:s31+$0x0];
	v13 =	vadd.s32 v13, v20;
	(v2sf) =	vpush v4, $0x4;
	s2 =	spop (v2sf)  }
.LBB2_3:
0x7c: {  	s11 =	sand.u32 $0xF00, s30;
	s12 =	sadd.s32 $0x10, s30;
	s31 =	sadd.s32 $0x30, s30;
	v9 =	vadd.s32 v19, v9;
	v15 =	vshll.u32 v15, $0x3;
	v19 =	vld [tilespmem:s2+$0x0];
	(v2sf) =	vpush v4, $0xA  }
0x7d: {  	s29 =	sadd.s32 $0x4, s29;
	s2 =	sor.u32 $0x18000, s11;
	s11 =	sand.u32 $0xF0, s31;
	v8 =	vadd.s32 v15, v8;
	v14 =	vshll.u32 v14, $0x3;
	(v2sf) =	vpush v3, $0x4;
	v15 =	vld [tilespmem:s0+$0x0]  }
0x7e: {  	s0 =	sadd.s32 $0x20, s30;
	p0 =	slt.u32 s29, $0xFC;
	s11 =	sor.u32 s11, s2;
	v7 =	vadd.s32 v14, v7;
	v14 =	vshll.u32 v17, $0x3;
	(v2sf) =	vpush v3, $0xA;
	v17 =	vld [tilespmem:s28+$0x0]  }
0x7f: {  	s12 =	sand.u32 $0xD0, s12;
	s28 =	sand.u32 $0xC0, s30;
	s0 =	sand.u32 $0xE0, s0;
	v20 =	vld [tilespmem:s11+$0x0];
	v10 =	vadd.s32 v14, v10;
	v14 =	vshll.u32 v16, $0x3;
	(v2sf) =	vpush v1, $0x4  }
0x80: {  	s12 =	sor.u32 s12, s2;
	s11 =	sor.u32 s28, s2;
	s0 =	sor.u32 s0, s2;
	v11 =	vadd.s32 v14, v11;
	v14 =	vshll.u32 v18, $0x3;
	(v2sf) =	vpush v2, $0x5  }
0x81: {  	v16 =	vld [tilespmem:s11+$0x0];
	v12 =	vadd.s32 v14, v12;
	v14 =	vshll.u32 v19, $0x3;
	s2 =	spop (v2sf);
	(v2sf) =	vpush v2, $0xB  }
0x82: {  	v2 =	vld [tilespmem:s12+$0x0];
	v13 =	vadd.s32 v14, v13;
	s11 =	spop (v2sf);
	(v2sf) =	vpush v4, $0x5;
	v6 =	vadd.s32 v15, v6  }
0x83: {  	v14 =	vld [tilespmem:s0+$0x0];
	s0 =	spop (v2sf);
	(v2sf) =	vpush v4, $0xB;
	[tilespmem:s25+$0x10] =	vst v6;
	v4 =	vadd.s32 v17, v5  }
0x84: {  	v5 =	vshll.u32 v20, $0x6;
	v6 =	vld [tilespmem:s2+$0x0];
	s2 =	spop (v2sf);
	(v2sf) =	vpush v3, $0x5;
	[tilespmem:s25+$0x20] =	vst v4;
	s25 =	smov.u32 s26  }
0x85: {  	v4 =	vshra.s32 v5, $0x2;
	v5 =	vld [tilespmem:s11+$0x0];
	s11 =	spop (v2sf);
	(v2sf) =	vpush v3, $0xB  }
0x86: {  	v3 =	vshll.u32 v16, $0x6;
	v15 =	vld [tilespmem:s0+$0x0];
	s0 =	spop (v2sf);
	(v2sf) =	vpush v1, $0x5;
	v1 =	vadd.s32 $0x10000, v4  }
0x87: {  	v3 =	vshra.s32 v3, $0x2;
	v2 =	vshll.u32 v2, $0x6;
	(v2sf) =	vpush v1, $0x6;
	v16 =	vld [tilespmem:s2+$0x0];
	s2 =	spop (v2sf)  }
0x88: {  	v4 =	vshra.s32 v2, $0x2;
	v14 =	vshll.u32 v14, $0x6;
	(v2sf) =	vpush v1, $0x7;
	v17 =	vld [tilespmem:s11+$0x0];
	s11 =	spop (v2sf)  }
0x89: {  	v2 =	vadd.s32 $0x10000, v3;
	v3 =	vshra.s32 v14, $0x2;
	(v2sf) =	vpush v1, $0x8;
	v14 =	vld [tilespmem:s0+$0x0];
	s0 =	spop (v2sf)  }
0x8a: {  	v4 =	vadd.s32 $0x10000, v4;
	v3 =	vadd.s32 $0x10000, v3;
	(v2sf) =	vpush v1, $0x9;
	v18 =	vld [tilespmem:s2+$0x0];
	s2 =	spop (v2sf)  }
0x8b: {  	v6 =	vshll.u32 v6, $0x2;
	v5 =	vshll.u32 v5, $0x2;
	(v2sf) =	vpush v1, $0xA;
	v19 =	vld [tilespmem:s11+$0x0];
	s11 =	spop (v2sf)  }
0x8c: {  	v15 =	vshll.u32 v15, $0x2;
	(v2sf) =	vpush v2, $0x0;
	v20 =	vld [tilespmem:s0+$0x0];
	v16 =	vshll.u32 v16, $0x2;
	s0 =	spop (v2sf)  }
0x8d: {  	v6 =	vadd.s32 v6, v9;
	(v2sf) =	vpush v1, $0xB;
	v9 =	vld [tilespmem:s2+$0x0];
	v17 =	vshll.u32 v17, $0x2;
	s2 =	spop (v2sf)  }
0x8e: {  	v5 =	vadd.s32 v5, v8;
	(v2sf) =	vpush v2, $0x1;
	v8 =	vld [tilespmem:s11+$0x0];
	v14 =	vshll.u32 v14, $0x2;
	s11 =	spop (v2sf)  }
0x8f: {  	v7 =	vadd.s32 v15, v7;
	(v2sf) =	vpush v2, $0x6;
	v15 =	vld [tilespmem:s0+$0x0];
	v18 =	vshll.u32 v18, $0x2;
	s0 =	spop (v2sf)  }
0x90: {  	v10 =	vadd.s32 v16, v10;
	v11 =	vadd.s32 v17, v11;
	(v2sf) =	vpush v2, $0x7;
	v16 =	vld [tilespmem:s2+$0x0];
	s2 =	spop (v2sf)  }
0x91: {  	v12 =	vadd.s32 v14, v12;
	v13 =	vadd.s32 v18, v13;
	(v2sf) =	vpush v4, $0x0;
	v14 =	vld [tilespmem:s11+$0x0];
	s11 =	spop (v2sf)  }
0x92: {  	v17 =	vshll.u32 v19, $0x1;
	v19 =	vshll.u32 v20, $0x1;
	(v2sf) =	vpush v4, $0x1;
	v18 =	vld [tilespmem:s0+$0x0];
	s12 =	spop (v2sf)  }
0x93: {  	v9 =	vshll.u32 v9, $0x1;
	(v2sf) =	vpush v4, $0x6;
	v20 =	vld [tilespmem:s2+$0x0];
	v8 =	vshll.u32 v8, $0x1;
	s2 =	spop (v2sf)  }
0x94: {  	v17 =	vadd.s32 v17, v6;
	(v2sf) =	vpush v4, $0x7;
	v21 =	vld [tilespmem:s11+$0x0];
	v6 =	vshll.u32 v15, $0x1;
	s0 =	spop (v2sf)  }
0x95: {  	v15 =	vadd.s32 v19, v5;
	(v2sf) =	vpush v3, $0x0;
	v19 =	vld [tilespmem:s12+$0x0];
	v5 =	vshll.u32 v16, $0x1;
	s28 =	spop (v2sf)  }
0x96: {  	v7 =	vadd.s32 v9, v7;
	(v2sf) =	vpush v3, $0x1;
	s11 =	spop (v2sf);
	v9 =	vld [tilespmem:s2+$0x0];
	v14 =	vshll.u32 v14, $0x1  }
0x97: {  	v8 =	vadd.s32 v8, v10;
	v10 =	vadd.s32 v6, v11;
	v16 =	vld [tilespmem:s11+$0x0];
	(v2sf) =	vpush v3, $0x6;
	s2 =	spop (v2sf)  }
0x98: {  	v6 =	vadd.s32 v5, v12;
	v5 =	vadd.s32 v14, v13;
	v11 =	vld [tilespmem:s2+$0x0];
	(v2sf) =	vpush v3, $0x7;
	s2 =	spop (v2sf)  }
0x99: {  	v13 =	vadd.s32 v18, v17;
	v14 =	vadd.s32 v20, v15;
	v12 =	vld [tilespmem:s2+$0x0];
	(v2sf) =	vpush v1, $0x0;
	s2 =	spop (v2sf)  }
0x9a: {  	v7 =	vadd.s32 v21, v7;
	v15 =	vld [tilespmem:s2+$0x0];
	(v2sf) =	vpush v1, $0x1;
	s2 =	spop (v2sf);
	[tilespmem:s26+$0xFFFFFFC0] =	vst v13;
	v8 =	vadd.s32 v19, v8  }
0x9b: {  	v13 =	vld [tilespmem:s2+$0x0];
	s2 =	spop (v2sf);
	(v2sf) =	vpush v2, $0x2;
	[tilespmem:s26+$0xFFFFFFD0] =	vst v14;
	v9 =	vadd.s32 v9, v10  }
0x9c: {  	v10 =	vld [tilespmem:s2+$0x0];
	(v2sf) =	vpush v2, $0x8;
	s2 =	spop (v2sf);
	[tilespmem:s26+$0xFFFFFFE0] =	vst v7  }
0x9d: {  	v7 =	vshll.u32 v16, $0x5;
	v11 =	vshll.u32 v11, $0x4;
	v14 =	vld [tilespmem:s2+$0x0];
	s2 =	spop (v2sf);
	(v2sf) =	vpush v4, $0x2;
	[tilespmem:s26+$0xFFFFFFF0] =	vst v8  }
0x9e: {  	v8 =	vld [tilespmem:s2+$0x0];
	v7 =	vadd.s32 v7, v11;
	v11 =	vshll.u32 v12, $0x3;
	s2 =	spop (v2sf);
	(v2sf) =	vpush v4, $0x8;
	[tilespmem:s26+$0x0] =	vst v9  }
0x9f: {  	v12 =	vld [tilespmem:s2+$0x0];
	v7 =	vadd.s32 v11, v7;
	v9 =	vshll.u32 v15, $0x2;
	s2 =	spop (v2sf);
	(v2sf) =	vpush v3, $0x2  }
0xa0: {  	v11 =	vld [tilespmem:s2+$0x0];
	v7 =	vadd.s32 v9, v7;
	v9 =	vshll.u32 v13, $0x1;
	s2 =	spop (v2sf);
	(v2sf) =	vpush v3, $0x8  }
0xa1: {  	v10 =	vshll.u32 v10, $0x5;
	v13 =	vld [tilespmem:s2+$0x0];
	v7 =	vadd.s32 v9, v7;
	s2 =	spop (v2sf);
	(v2sf) =	vpush v1, $0x2  }
0xa2: {  	s26 =	sadd.s32 $0x80, s26;
	v15 =	vld [tilespmem:s2+$0x0];
	v7 =	vadd.s32 v14, v7;
	s2 =	spop (v2sf)  }
0xa3: {  	v8 =	vshll.u32 v8, $0x4;
	v14 =	vld [tilespmem:s2+$0x0];
	[tilespmem:s26+$0x30] =	vst v7;
	s2 =	spop (v2sf)  }
0xa4: {  	v9 =	vadd.s32 v10, v8;
	v7 =	vshll.u32 v12, $0x5;
	v10 =	vld [tilespmem:s2+$0x0];
	s2 =	spop (v2sf)  }
0xa5: {  	v8 =	vshll.u32 v11, $0x4;
	v11 =	vld [tilespmem:s2+$0x0];
	s2 =	spop (v2sf)  }
0xa6: {  	v8 =	vadd.s32 v7, v8;
	v7 =	vshll.u32 v13, $0x5;
	v12 =	vld [tilespmem:s2+$0x0];
	s2 =	spop (v2sf)  }
0xa7: {  	v13 =	vshll.u32 v15, $0x4;
	v16 =	vld [tilespmem:s2+$0x0];
	(v2sf) =	vpush v2, $0x3;
	s2 =	spop (v2sf)  }
0xa8: {  	v7 =	vadd.s32 v7, v13;
	v13 =	vshll.u32 v14, $0x5;
	v17 =	vld [tilespmem:s2+$0x0];
	(v2sf) =	vpush v2, $0x9;
	s2 =	spop (v2sf)  }
0xa9: {  	v10 =	vshll.u32 v10, $0x4;
	v18 =	vld [tilespmem:s2+$0x0];
	(v2sf) =	vpush v4, $0x3;
	s2 =	spop (v2sf)  }
0xaa: {  	v10 =	vadd.s32 v13, v10;
	v11 =	vshll.u32 v11, $0x5;
	v13 =	vld [tilespmem:s2+$0x0];
	s2 =	spop (v2sf);
	(v2sf) =	vpush v4, $0x9  }
0xab: {  	v19 =	vld [tilespmem:s2+$0x0];
	v12 =	vshll.u32 v12, $0x4;
	s2 =	spop (v2sf);
	(v2sf) =	vpush v3, $0x3  }
.Ltmp0:
0xac: {  	v15 =	vld [tilespmem:s2+$0x0];
	v11 =	vadd.s32 v11, v12;
	v12 =	vshll.u32 v16, $0x5;
	s2 =	spop (v2sf);
	(v2sf) =	vpush v3, $0x9;
	(pc) =	sbr.rel @p0 .LBB2_3-.Ltmp0, $4  }
0xad: {  	v14 =	vld [tilespmem:s2+$0x0];
	v16 =	vshll.u32 v17, $0x4;
	s2 =	spop (v2sf);
	(v2sf) =	vpush v1, $0x3  }
0xae: {  	v17 =	vld [tilespmem:s2+$0x0];
	v12 =	vadd.s32 v12, v16;
	v20 =	vshll.u32 v18, $0x5;
	(v2sf) =	vpush v2, $0x4;
	s2 =	spop (v2sf)  }
0xaf: {  	v16 =	vld [tilespmem:s2+$0x0];
	v13 =	vshll.u32 v13, $0x4;
	(v2sf) =	vpush v2, $0xA;
	s2 =	spop (v2sf)  }
0xb0: {  	s30 =	sadd.s32 $0x40, s30;
	v19 =	vshll.u32 v19, $0x3;
	v18 =	vld [tilespmem:s2+$0x0];
	v13 =	vadd.s32 v20, v13;
	(v2sf) =	vpush v4, $0x4;
	s2 =	spop (v2sf)  }
0xb1: {  	(v2sf) =	vpush v4, $0xA  }
0xb2: {  	(v2sf) =	vpush v3, $0x4  }
0xb3: {  	(v2sf) =	vpush v3, $0xA  }
0xb4: {  	v20 =	vld [tilespmem:s2+$0x0];
	(v2sf) =	vpush v1, $0x4  }
0xb5: {  	v21 =	vld [tilespmem:s0+$0x0];
	(v2sf) =	vpush v2, $0x5  }
0xb6: {  	v22 =	vld [tilespmem:s28+$0x0];
	s30 =	spop (v2sf);
	(v2sf) =	vpush v2, $0xB  }
0xb7: {  	s31 =	spop (v2sf);
	(v2sf) =	vpush v4, $0x5;
	v2 =	vld [tilespmem:s30+$0x0]  }
0xb8: {  	s5 =	spop (v2sf);
	(v2sf) =	vpush v4, $0xB;
	v36 =	vld [tilespmem:s31+$0x0]  }
0xb9: {  	s11 =	spop (v2sf);
	(v2sf) =	vpush v3, $0x5;
	v23 =	vld [tilespmem:s5+$0x0]  }
0xba: {  	s12 =	spop (v2sf);
	(v2sf) =	vpush v3, $0xB;
	v3 =	vld [tilespmem:s11+$0x0]  }
0xbb: {  	s28 =	spop (v2sf);
	(v2sf) =	vpush v1, $0x5;
	v1 =	vld [tilespmem:s12+$0x0]  }
0xbc: {  	s29 =	spop (v2sf);
	v24 =	vld [tilespmem:s28+$0x0]  }
0xbd: {  	s30 =	spop (v2sf);
	v25 =	vld [tilespmem:s29+$0x0]  }
0xbe: {  	s31 =	spop (v2sf);
	v26 =	vld [tilespmem:s30+$0x0]  }
0xbf: {  	v9 =	vadd.s32 v19, v9;
	v15 =	vshll.u32 v15, $0x3;
	s5 =	spop (v2sf);
	v37 =	vld [tilespmem:s31+$0x0]  }
0xc0: {  	v8 =	vadd.s32 v15, v8;
	v14 =	vshll.u32 v14, $0x3;
	v38 =	vshll.u32 v17, $0x3;
	s11 =	spop (v2sf);
	v39 =	vld [tilespmem:s5+$0x0]  }
0xc1: {  	v7 =	vadd.s32 v14, v7;
	v10 =	vadd.s32 v38, v10;
	v40 =	vshll.u32 v16, $0x3;
	s12 =	spop (v2sf);
	v41 =	vld [tilespmem:s11+$0x0]  }
0xc2: {  	v11 =	vadd.s32 v40, v11;
	v42 =	vshll.u32 v18, $0x3;
	v43 =	vshll.u32 v20, $0x3;
	s28 =	spop (v2sf);
	v44 =	vld [tilespmem:s12+$0x0]  }
0xc3: {  	v12 =	vadd.s32 v42, v12;
	v6 =	vadd.s32 v21, v6;
	v5 =	vadd.s32 v22, v5;
	s29 =	spop (v2sf);
	v45 =	vld [tilespmem:s28+$0x0]  }
0xc4: {  	v13 =	vadd.s32 v43, v13;
	v2 =	vshll.u32 v2, $0x2;
	v4 =	vshll.u32 v36, $0x2;
	s30 =	spop (v2sf);
	v46 =	vld [tilespmem:s29+$0x0]  }
0xc5: {  	v2 =	vadd.s32 v2, v9;
	v47 =	vshll.u32 v23, $0x2;
	v4 =	vadd.s32 v4, v8;
	s31 =	spop (v2sf);
	v48 =	vld [tilespmem:s30+$0x0]  }
0xc6: {  	v3 =	vshll.u32 v3, $0x2;
	v7 =	vadd.s32 v47, v7;
	v1 =	vshll.u32 v1, $0x2;
	s5 =	spop (v2sf);
	v49 =	vld [tilespmem:s31+$0x0]  }
0xc7: {  	v3 =	vadd.s32 v3, v10;
	v50 =	vshll.u32 v24, $0x2;
	v1 =	vadd.s32 v1, v11;
	s11 =	spop (v2sf);
	v51 =	vld [tilespmem:s5+$0x0]  }
0xc8: {  	v52 =	vshll.u32 v25, $0x2;
	v10 =	vadd.s32 v50, v12;
	v53 =	vshll.u32 v26, $0x1;
	s12 =	spop (v2sf);
	v54 =	vld [tilespmem:s11+$0x0]  }
0xc9: {  	[tilespmem:s25+$0x10] =	vst v6;
	v55 =	vadd.s32 v52, v13;
	v56 =	vshll.u32 v37, $0x1;
	v2 =	vadd.s32 v53, v2;
	s28 =	spop (v2sf);
	v57 =	vld [tilespmem:s12+$0x0]  }
0xca: {  	[tilespmem:s25+$0x20] =	vst v5;
	v58 =	vshll.u32 v39, $0x1;
	v4 =	vadd.s32 v56, v4;
	s29 =	spop (v2sf);
	v2 =	vadd.s32 v48, v2;
	v59 =	vld [tilespmem:s28+$0x0]  }
0xcb: {  	v60 =	vshll.u32 v41, $0x1;
	v5 =	vadd.s32 v58, v7;
	v4 =	vadd.s32 v49, v4;
	[tilespmem:s26+$0xFFFFFFC0] =	vst v2;
	v2 =	vld [tilespmem:s29+$0x0]  }
0xcc: {  	v61 =	vshll.u32 v44, $0x1;
	v3 =	vadd.s32 v60, v3;
	v5 =	vadd.s32 v51, v5;
	[tilespmem:s26+$0xFFFFFFD0] =	vst v4  }
0xcd: {  	s30 =	sshll.u32 s24, $0x13;
	v62 =	vshll.u32 v45, $0x1;
	v1 =	vadd.s32 v61, v1;
	v3 =	vadd.s32 v54, v3;
	[tilespmem:s26+$0xFFFFFFE0] =	vst v5  }
0xce: {  	s0 =	sand.u32 $0x80000, s30;
	s31 =	sshll.u32 s24, $0x8;
	v63 =	vshll.u32 v46, $0x1;
	v4 =	vadd.s32 v62, v10;
	v1 =	vadd.s32 v57, v1;
	[tilespmem:s26+$0xFFFFFFF0] =	vst v3  }
0xcf: {  	s24 =	sadd.s32 $0x1, s24;
	s2 =	sand.u32 $0x600, s31;
	s0 =	sadd.s32 s0, s1;
	v3 =	vadd.s32 v63, v55;
	[tilespmem:s26+$0x0] =	vst v1;
	v1 =	vadd.s32 v59, v4  }
0xd0: {  	p0 =	sne.s32 s24, $0x8;
	s0 =	sadd.s32 s2, s0;
	[tilespmem:s26+$0x10] =	vst v1;
	v1 =	vadd.s32 v2, v3  }
.Ltmp1:
0xd1: {  	s0 =	sadd.s32 s16, s0;
	[tilespmem:s26+$0x20] =	vst v1;
	(pc) =	sbr.rel @p0 .LBB2_2-.Ltmp1, $4  }
0xd2: {  	[spmem:s0] =	stream.strided.scatter [tilespmem:s19], [sflag:$0x1], $0x2000, s18, s17, $0x38;
	[tilespmem:$0x1E000] =	vst v63  }
0xd3: {  	_ =	swait.ge [sflag:s14], $0x2000  }
0xd4: {  	[sflag:s14] =	ssyncset.done $0x0  }
0xd5: {  	[sflag:s14] =	ssyncadd.s32 $0xFFFFE000  }
0xd6: {  	[bflag:$0x0] =	sbarrier.arrive $0xFFFF;
	s24 =	simm.s32 $0x0;
	s25 =	simm.s32 $0x0  }
.LBB2_6:
0xd7: {  	s0 =	sshll.u32 s25, $0x3  }
0xd8: {  	s2 =	sadd.s32 s8, s0  }
0xd9: {  	s2 =	sshll.u32 s2, $0x9  }
0xda: {  	s26 =	sor.u32 s7, s0;
	s2 =	sadd.s32 s4, s2  }
0xdb: {  	[tilespmem:s13], [sflag:$0x1] =	stream.linear.gather [hbm4b:s2+s24], $0x8000, $0x38;
	[tilespmem:$0x1E000] =	vst v63  }
0xdc: {  	s0 =	sshll.u32 s26, $0xB;
	_ =	swait.ge [sflag:s14], $0x8000  }
0xdd: {  	s0 =	sand.u32 $0x3FFFF800, s0;
	[sflag:s14] =	ssyncset.done $0x0  }
0xde: {  	s0 =	sadd.s32 s0, s1;
	[sflag:s14] =	ssyncadd.s32 $0xFFFF8000  }
0xdf: {  	[tilespmem:s15], [sflag:$0x1] =	stream.linear.gather [spmem:s0], $0x4000, $0x38;
	[tilespmem:$0x1E000] =	vst v63  }
0xe0: {  	_ =	swait.ge [sflag:s14], $0x4000  }
0xe1: {  	[sflag:s14] =	ssyncset.done $0x0  }
0xe2: {  	p0 =	por $0x0, $0x0;
	s28 =	simm.s32 $0x0;
	[sflag:s14] =	ssyncadd.s32 $0xFFFFC000  }
.LBB2_7:
0xe3: {  	s29 =	simm.s32 $0x1  }
0xe4: {  	s12 =	sshrl.u32 s28, $0x2;
	s29 =	simm.s32 @!p0 $0x0  }
0xe5: {  	s0 =	sshll.u32 s12, $0xD;
	s2 =	sshll.u32 s29, $0xC  }
0xe6: {  	s0 =	sor.u32 s2, s0  }
0xe7: {  	s11 =	sshrl.u32 s0, $0x2  }
0xe8: {  	s2 =	sadd.s32 $0x18040, s11  }
0xe9: {  	v2 =	vld [tilespmem:s2+$0x20]  }
0xea: {  	v5 =	vld [tilespmem:s2+$0x30]  }
0xeb: {  	s5 =	sand.u32 $0x2, s28;
	v6 =	vld [tilespmem:s2+$0xFFFFFFD0]  }
0xec: {  	s0 =	sshll.u32 s5, $0x3;
	v9 =	vld [tilespmem:s2+$0xFFFFFFE0]  }
0xed: {  	s31 =	sshll.u32 s12, $0xC;
	s30 =	sshll.u32 s20, s0;
	v15 =	vld [tilespmem:s2+$0xFFFFFFF0]  }
0xee: {  	v1 =	vmov s31;
	s5 =	sshll.u32 s21, s0;
	v4 =	vmov s30;
	v16 =	vld [tilespmem:s2+$0x0]  }
0xef: {  	v3 =	vmov s5;
	v13 =	vld [tilespmem:s2+$0xFFFFFFC0];
	v7 =	vshrl.u32 v5, $0x18;
	v8 =	vshrl.u32 v2, $0x12  }
0xf0: {  	v10 =	vand.u32 $0x3F, v5;
	v11 =	vshrl.u32 v5, $0x10;
	v12 =	vshrl.u32 v2, $0xA  }
0xf1: {  	v14 =	vshll.u32 v2, $0x6;
	v5 =	vshrl.u32 v5, $0x8;
	v2 =	vshrl.u32 v2, $0x2  }
0xf2: {  	v17 =	vshll.u32 v9, $0x6;
	v18 =	vshrl.u32 v15, $0x8;
	v19 =	vshrl.u32 v9, $0x2  }
0xf3: {  	v20 =	vshll.u32 v16, $0x6;
	v22 =	vshrl.u32 v16, $0x2;
	v23 =	vand.u32 $0x3F, v6  }
0xf4: {  	v24 =	vshrl.u32 v6, $0x10;
	v25 =	vshrl.u32 v13, $0xA;
	v26 =	vand.u32 $0x3F, v15  }
0xf5: {  	v27 =	vshrl.u32 v15, $0x10;
	v28 =	vshrl.u32 v9, $0xA;
	v31 =	vshrl.u32 v16, $0xA  }
0xf6: {  	v15 =	vshrl.u32 v15, $0x18;
	v9 =	vshrl.u32 v9, $0x12;
	v16 =	vshrl.u32 v16, $0x12  }
0xf7: {  	v12 =	vand.u32 $0xFC0, v12;
	v8 =	vand.u32 $0xFC0, v8;
	v7 =	vand.u32 $0x3F, v7  }
0xf8: {  	v14 =	vand.u32 $0xFC0, v14;
	v2 =	vand.u32 $0xFC0, v2;
	v5 =	vand.u32 $0x3F, v5  }
0xf9: {  	v17 =	vand.u32 $0xFC0, v17;
	v19 =	vand.u32 $0xFC0, v19;
	v18 =	vand.u32 $0x3F, v18  }
0xfa: {  	v20 =	vand.u32 $0xFC0, v20;
	v22 =	vand.u32 $0xFC0, v22;
	v10 =	vor.u32 v14, v10  }
0xfb: {  	v2 =	vor.u32 v5, v2;
	v5 =	vand.u32 $0x3F, v11;
	v10 =	vor.u32 v1, v10  }
0xfc: {  	v57 =	vand.u32 $0xFC0, v28;
	v2 =	vor.u32 v1, v2;
	v5 =	vor.u32 v5, v12  }
0xfd: {  	v58 =	vand.u32 $0x3F, v27;
	v59 =	vand.u32 $0xFC0, v31;
	v5 =	vor.u32 v1, v5  }
0xfe: {  	v9 =	vand.u32 $0xFC0, v9;
	v15 =	vand.u32 $0x3F, v15;
	v7 =	vor.u32 v7, v8;
	v8 =	vld [tilespmem:s2+$0x10]  }
0xff: {  	v16 =	vand.u32 $0xFC0, v16;
	v11 =	vshll.u32 v13, $0x6;
	v7 =	vor.u32 v1, v7  }
0x100: {  	v14 =	vshrl.u32 v13, $0x2;
	v13 =	vshrl.u32 v13, $0x12;
	v12 =	vshrl.u32 v6, $0x8;
	v10 =	vld.idx.msk [tilespmem:v10+s13+$0x0], $0xffff  }
0x101: {  	v11 =	vand.u32 $0xFC0, v11;
	v14 =	vand.u32 $0xFC0, v14;
	v6 =	vshrl.u32 v6, $0x18;
	v2 =	vld.idx.msk [tilespmem:v2+s13+$0x0], $0xffff  }
0x102: {  	v13 =	vand.u32 $0xFC0, v13;
	v12 =	vand.u32 $0x3F, v12;
	v11 =	vor.u32 v11, v23;
	v5 =	vld.idx.msk [tilespmem:v5+s13+$0x0], $0xffff  }
0x103: {  	v12 =	vor.u32 v12, v14;
	v14 =	vor.u32 v17, v26;
	v21 =	vshrl.u32 v8, $0x8  }
0x104: {  	v11 =	vor.u32 v1, v11;
	v12 =	vor.u32 v1, v12;
	v7 =	vld.idx.msk [tilespmem:v7+s13+$0x0], $0xffff;
	v21 =	vand.u32 $0x3F, v21  }
0x105: {  	v14 =	vor.u32 v1, v14;
	v29 =	vand.u32 $0x3F, v8;
	v17 =	vor.u32 v21, v22  }
0x106: {  	v17 =	vor.u32 v1, v17;
	v10 =	vand.u32 v4, v10;
	v2 =	vand.u32 v4, v2  }
0x107: {  	vm0 =	veq.s32 v10, v3;
	vm1 =	veq.s32 v2, v3;
	v2 =	vand.u32 v4, v5  }
0x108: {  	v5 =	vsel vm0, $0x1, v0;
	v10 =	vsel vm1, $0x100, v0;
	vm0 =	veq.s32 v2, v3  }
0x109: {  	v7 =	vand.u32 v4, v7;
	v2 =	vor.u32 v5, v10;
	v5 =	vsel vm0, $0x10000, v0  }
0x10a: {  	vm0 =	veq.s32 v7, v3;
	v7 =	vor.u32 v18, v19;
	v10 =	vor.u32 v20, v29  }
0x10b: {  	v18 =	vand.u32 $0xFC0, v25;
	v19 =	vand.u32 $0x3F, v24;
	v7 =	vor.u32 v1, v7  }
0x10c: {  	v30 =	vshrl.u32 v8, $0x10;
	v11 =	vld.idx.msk [tilespmem:v11+s13+$0x0], $0xffff;
	v10 =	vor.u32 v1, v10;
	v18 =	vor.u32 v19, v18  }
0x10d: {  	v60 =	vand.u32 $0x3F, v30;
	v12 =	vld.idx.msk [tilespmem:v12+s13+$0x0], $0xffff;
	v19 =	vor.u32 v58, v57;
	v18 =	vor.u32 v1, v18  }
0x10e: {  	v6 =	vand.u32 $0x3F, v6;
	v61 =	vor.u32 v60, v59;
	v14 =	vld.idx.msk [tilespmem:v14+s13+$0x0], $0xffff;
	v19 =	vor.u32 v1, v19  }
0x10f: {  	v6 =	vor.u32 v6, v13;
	v8 =	vshrl.u32 v8, $0x18;
	v17 =	vld.idx.msk [tilespmem:v17+s13+$0x0], $0xffff;
	v20 =	vor.u32 v1, v61  }
0x110: {  	v13 =	vld.idx.msk [tilespmem:v7+s13+$0x0], $0xffff;
	v7 =	vand.u32 $0x3F, v8;
	v8 =	vor.u32 v15, v9;
	v9 =	vor.u32 v1, v6  }
0x111: {  	v2 =	vor.u32 v5, v2;
	v62 =	vld.idx.msk [tilespmem:v10+s13+$0x0], $0xffff;
	v5 =	vor.u32 v7, v16;
	v10 =	vor.u32 v1, v8  }
0x112: {  	v6 =	vsel vm0, $0x1000000, v0;
	v7 =	vand.u32 v4, v11;
	v63 =	vor.u32 v1, v5;
	v5 =	vld.idx.msk [tilespmem:v18+s13+$0x0], $0xffff  }
0x113: {  	s12 =	sshll.u32 s12, $0xA;
	s5 =	sshll.u32 s29, $0xE;
	v2 =	vor.u32 v6, v2;
	v8 =	vand.u32 v4, v12;
	vm0 =	veq.s32 v7, v3;
	v7 =	vld.idx.msk [tilespmem:v19+s13+$0x0], $0xffff  }
0x114: {  	s5 =	sadd.s32 s12, s5;
	v12 =	vand.u32 v4, v14;
	v6 =	vsel vm0, $0x1, v0;
	vm0 =	veq.s32 v8, v3;
	v8 =	vld.idx.msk [tilespmem:v20+s13+$0x0], $0xffff  }
0x115: {  	s5 =	sshra.s32 s5, $0x2;
	v11 =	vsel vm0, $0x100, v0;
	vm0 =	veq.s32 v12, v3;
	v9 =	vld.idx.msk [tilespmem:v9+s13+$0x0], $0xffff;
	v12 =	vand.u32 v4, v13  }
0x116: {  	s30 =	sadd.s32 $0x18270, s11;
	s11 =	simm.s32 $0x0;
	s31 =	sadd.s32 $0x1C020, s5;
	v15 =	vsel vm0, $0x1, v0;
	vm0 =	veq.s32 v12, v3;
	v10 =	vld.idx.msk [tilespmem:v10+s13+$0x0], $0xffff;
	v12 =	vand.u32 v4, v62  }
0x117: {  	s12 =	sadd.s32 $0x80, s2;
	s29 =	sadd.s32 $0x1C830, s5;
	s2 =	smov.u32 s31;
	[tilespmem:s31+$0x10] =	vst v2;
	v16 =	vsel vm0, $0x100, v0;
	vm0 =	veq.s32 v12, v3;
	v12 =	vand.u32 v4, v17;
	v14 =	vld.idx.msk [tilespmem:v63+s13+$0x0], $0xffff  }
.LBB2_8:
0x118: {  	v17 =	vld [tilespmem:s12+$0x20];
	v2 =	vand.u32 v4, v5;
	v18 =	vsel vm0, $0x1, v0;
	vm0 =	veq.s32 v12, v3  }
0x119: {  	v5 =	vand.u32 v4, v7;
	v19 =	vld [tilespmem:s12+$0x30];
	vm1 =	veq.s32 v2, v3;
	v20 =	vsel vm0, $0x100, v0  }
0x11a: {  	v2 =	vor.u32 v6, v11;
	vm0 =	veq.s32 v5, v3;
	v6 =	vand.u32 v4, v8;
	v12 =	vld [tilespmem:s12+$0xFFFFFFD0]  }
0x11b: {  	v5 =	vor.u32 v15, v16;
	v21 =	vand.u32 v4, v9;
	vm2 =	veq.s32 v6, v3;
	v13 =	vld [tilespmem:s12+$0xFFFFFFE0]  }
0x11c: {  	v7 =	vsel vm1, $0x10000, v0;
	v6 =	vor.u32 v18, v20;
	v9 =	vand.u32 v4, v10;
	v15 =	vld [tilespmem:s12+$0xFFFFFFF0]  }
0x11d: {  	s11 =	sadd.s32 $0x4, s11;
	v8 =	vsel vm0, $0x10000, v0;
	v10 =	vsel vm2, $0x10000, v0;
	v11 =	vand.u32 v4, v14;
	v16 =	vld [tilespmem:s12+$0x0]  }
0x11e: {  	p1 =	slt.u32 s11, $0xC;
	vm0 =	veq.s32 v21, v3;
	v20 =	vshrl.u32 v17, $0x12;
	v14 =	vld [tilespmem:s12+$0x10];
	v18 =	vshrl.u32 v19, $0x18  }
0x11f: {  	v24 =	vshrl.u32 v17, $0xA;
	v22 =	vand.u32 $0x3F, v19;
	v23 =	vshrl.u32 v19, $0x10;
	v21 =	vld [tilespmem:s12+$0xFFFFFFC0]  }
0x120: {  	v25 =	vshll.u32 v17, $0x6;
	v17 =	vshrl.u32 v17, $0x2;
	v19 =	vshrl.u32 v19, $0x8  }
0x121: {  	v24 =	vand.u32 $0xFC0, v24;
	v20 =	vand.u32 $0xFC0, v20;
	v18 =	vand.u32 $0x3F, v18  }
0x122: {  	v25 =	vand.u32 $0xFC0, v25;
	v17 =	vand.u32 $0xFC0, v17;
	v18 =	vor.u32 v18, v20  }
0x123: {  	v19 =	vand.u32 $0x3F, v19;
	v20 =	vor.u32 v25, v22;
	v18 =	vor.u32 v1, v18  }
0x124: {  	v17 =	vor.u32 v19, v17;
	v19 =	vand.u32 $0x3F, v23;
	v20 =	vor.u32 v1, v20  }
0x125: {  	v17 =	vor.u32 v1, v17;
	v19 =	vor.u32 v19, v24;
	v22 =	vshll.u32 v21, $0x6  }
0x126: {  	v23 =	vshrl.u32 v12, $0x8;
	v19 =	vor.u32 v1, v19;
	v24 =	vshrl.u32 v21, $0x2  }
0x127: {  	v25 =	vshll.u32 v13, $0x6;
	v27 =	vshrl.u32 v13, $0x2;
	v26 =	vshrl.u32 v15, $0x8  }
0x128: {  	v28 =	vshll.u32 v16, $0x6;
	v30 =	vshrl.u32 v16, $0x2;
	v29 =	vshrl.u32 v14, $0x8;
	v18 =	vld.idx.msk [tilespmem:v18+s13+$0x0], $0xffff  }
0x129: {  	v23 =	vand.u32 $0x3F, v23;
	v22 =	vand.u32 $0xFC0, v22;
	v24 =	vand.u32 $0xFC0, v24;
	v20 =	vld.idx.msk [tilespmem:v20+s13+$0x0], $0xffff  }
0x12a: {  	v25 =	vand.u32 $0xFC0, v25;
	v27 =	vand.u32 $0xFC0, v27;
	v26 =	vand.u32 $0x3F, v26;
	v17 =	vld.idx.msk [tilespmem:v17+s13+$0x0], $0xffff  }
0x12b: {  	v28 =	vand.u32 $0xFC0, v28;
	v30 =	vand.u32 $0xFC0, v30;
	v29 =	vand.u32 $0x3F, v29;
	v19 =	vld.idx.msk [tilespmem:v19+s13+$0x0], $0xffff  }
0x12c: {  	v31 =	vand.u32 $0x3F, v12;
	v32 =	vshrl.u32 v12, $0x10;
	v33 =	vshrl.u32 v21, $0xA  }
0x12d: {  	v36 =	vshrl.u32 v13, $0xA;
	v34 =	vand.u32 $0x3F, v15;
	v35 =	vshrl.u32 v15, $0x10  }
0x12e: {  	v39 =	vshrl.u32 v16, $0xA;
	v37 =	vand.u32 $0x3F, v14;
	v38 =	vshrl.u32 v14, $0x10  }
0x12f: {  	v22 =	vor.u32 v22, v31;
	v23 =	vor.u32 v23, v24;
	v24 =	vor.u32 v25, v34  }
0x130: {  	v18 =	vand.u32 v4, v18;
	v20 =	vand.u32 v4, v20;
	v17 =	vand.u32 v4, v17  }
0x131: {  	vm1 =	veq.s32 v20, v3;
	vm2 =	veq.s32 v17, v3;
	v17 =	vand.u32 v4, v19  }
0x132: {  	v19 =	vsel vm1, $0x1, v0;
	v20 =	vsel vm2, $0x100, v0;
	vm1 =	veq.s32 v17, v3  }
0x133: {  	v17 =	vor.u32 v19, v20;
	v19 =	vsel vm1, $0x10000, v0;
	vm1 =	veq.s32 v18, v3  }
0x134: {  	v18 =	vor.u32 v26, v27;
	v17 =	vor.u32 v19, v17;
	v19 =	vsel vm1, $0x1000000, v0  }
0x135: {  	s31 =	sadd.s32 $0x40, s31;
	v25 =	vor.u32 v29, v30;
	v20 =	vor.u32 v28, v37;
	v17 =	vor.u32 v19, v17  }
0x136: {  	v26 =	vand.u32 $0x3F, v32;
	v27 =	vand.u32 $0xFC0, v36;
	v19 =	vand.u32 $0xFC0, v33;
	[tilespmem:s31+$0x10] =	vst v17  }
0x137: {  	v29 =	vand.u32 $0x3F, v38;
	v28 =	vand.u32 $0xFC0, v39;
	v17 =	vand.u32 $0x3F, v35  }
0x138: {  	v12 =	vshrl.u32 v12, $0x18;
	v15 =	vshrl.u32 v15, $0x18;
	v21 =	vshrl.u32 v21, $0x12  }
0x139: {  	v13 =	vshrl.u32 v13, $0x12;
	v16 =	vshrl.u32 v16, $0x12;
	v14 =	vshrl.u32 v14, $0x18  }
0x13a: {  	v22 =	vor.u32 v1, v22;
	v23 =	vor.u32 v1, v23;
	v24 =	vor.u32 v1, v24  }
0x13b: {  	v25 =	vor.u32 v1, v25;
	v18 =	vor.u32 v1, v18;
	v20 =	vor.u32 v1, v20  }
0x13c: {  	v19 =	vor.u32 v26, v19;
	v26 =	vor.u32 v29, v28;
	v17 =	vor.u32 v17, v27  }
0x13d: {  	v12 =	vand.u32 $0x3F, v12;
	v13 =	vand.u32 $0xFC0, v13;
	v21 =	vand.u32 $0xFC0, v21  }
0x13e: {  	v15 =	vand.u32 $0x3F, v15;
	v16 =	vand.u32 $0xFC0, v16;
	v14 =	vand.u32 $0x3F, v14  }
0x13f: {  	v19 =	vor.u32 v1, v19;
	v26 =	vor.u32 v1, v26;
	v17 =	vor.u32 v1, v17;
	v22 =	vld.idx.msk [tilespmem:v22+s13+$0x0], $0xffff  }
0x140: {  	v13 =	vor.u32 v15, v13;
	v14 =	vor.u32 v14, v16;
	v12 =	vor.u32 v12, v21;
	v23 =	vld.idx.msk [tilespmem:v23+s13+$0x0], $0xffff  }
0x141: {  	v13 =	vor.u32 v1, v13;
	v14 =	vor.u32 v1, v14;
	v12 =	vor.u32 v1, v12;
	v15 =	vld.idx.msk [tilespmem:v24+s13+$0x0], $0xffff  }
0x142: {  	v2 =	vor.u32 v7, v2;
	vm2 =	veq.s32 v11, v3;
	vm1 =	veq.s32 v9, v3;
	v16 =	vld.idx.msk [tilespmem:v18+s13+$0x0], $0xffff  }
0x143: {  	v8 =	vor.u32 v8, v5;
	v7 =	vsel vm0, $0x1000000, v0;
	v6 =	vor.u32 v10, v6;
	v18 =	vld.idx.msk [tilespmem:v20+s13+$0x0], $0xffff  }
0x144: {  	v2 =	vor.u32 v7, v2;
	v9 =	vsel vm2, $0x1000000, v0;
	v7 =	vsel vm1, $0x1000000, v0;
	v20 =	vld.idx.msk [tilespmem:v25+s13+$0x0], $0xffff  }
0x145: {  	v11 =	vor.u32 v7, v8;
	v10 =	vand.u32 v4, v22;
	v5 =	vld.idx.msk [tilespmem:v19+s13+$0x0], $0xffff;
	v19 =	vor.u32 v9, v6  }
.Ltmp2:
0x146: {  	vm0 =	veq.s32 v10, v3;
	v8 =	vand.u32 v4, v23;
	v7 =	vld.idx.msk [tilespmem:v17+s13+$0x0], $0xffff;
	[tilespmem:s2+$0xFFFFFFE0] =	vst v2;
	(pc) =	sbr.rel @p1 .LBB2_8-.Ltmp2, $4  }
0x147: {  	v6 =	vsel vm0, $0x1, v0;
	vm0 =	veq.s32 v8, v3;
	v2 =	vand.u32 v4, v15;
	v8 =	vld.idx.msk [tilespmem:v26+s13+$0x0], $0xffff;
	[tilespmem:s2+$0xFFFFFFF0] =	vst v11  }
0x148: {  	v11 =	vsel vm0, $0x100, v0;
	vm0 =	veq.s32 v2, v3;
	v2 =	vand.u32 v4, v16;
	v9 =	vld.idx.msk [tilespmem:v12+s13+$0x0], $0xffff;
	[tilespmem:s2+$0x0] =	vst v19;
	s2 =	smov.u32 s31  }
0x149: {  	v15 =	vsel vm0, $0x1, v0;
	vm0 =	veq.s32 v2, v3;
	v2 =	vand.u32 v4, v18;
	v10 =	vld.idx.msk [tilespmem:v13+s13+$0x0], $0xffff  }
0x14a: {  	s12 =	sadd.s32 $0x80, s12;
	v16 =	vsel vm0, $0x100, v0;
	vm0 =	veq.s32 v2, v3;
	v12 =	vand.u32 v4, v20;
	v14 =	vld.idx.msk [tilespmem:v14+s13+$0x0], $0xffff  }
0x14b: {  	v5 =	vand.u32 v4, v5  }
0x14c: {  	s0 =	sor.u32 $0x8, s0;
	v13 =	vsel vm0, $0x1, v0;
	vm0 =	veq.s32 v12, v3;
	v6 =	vor.u32 v6, v11  }
0x14d: {  	s5 =	sshll.u32 s20, s0;
	vm1 =	veq.s32 v5, v3;
	v5 =	vand.u32 v4, v7;
	v7 =	vsel vm0, $0x100, v0  }
0x14e: {  	v11 =	vld [tilespmem:s30+$0xFFFFFFF0];
	v2 =	vmov s5;
	vm0 =	veq.s32 v5, v3;
	v5 =	vand.u32 v4, v8  }
0x14f: {  	v18 =	vld [tilespmem:s30+$0xFFFFFFC0];
	v8 =	vand.u32 v4, v9;
	v9 =	vor.u32 v15, v16;
	v7 =	vor.u32 v13, v7  }
0x150: {  	v19 =	vld [tilespmem:s30+$0xFFFFFFD0];
	vm2 =	veq.s32 v5, v3;
	v5 =	vsel vm1, $0x10000, v0;
	v10 =	vand.u32 v4, v10  }
0x151: {  	v12 =	vsel vm0, $0x10000, v0;
	vm0 =	veq.s32 v8, v3;
	v13 =	vsel vm2, $0x10000, v0  }
0x152: {  	v4 =	vand.u32 v4, v14;
	v5 =	vor.u32 v5, v6;
	vm1 =	veq.s32 v10, v3  }
0x153: {  	vm2 =	veq.s32 v4, v3;
	v3 =	vsel vm0, $0x1000000, v0;
	v4 =	vor.u32 v12, v9  }
0x154: {  	v7 =	vor.u32 v13, v7;
	v8 =	vsel vm1, $0x1000000, v0;
	v15 =	vshrl.u32 v11, $0xA  }
0x155: {  	v17 =	vshll.u32 v11, $0x6;
	v21 =	vshrl.u32 v18, $0x8;
	v23 =	vshll.u32 v19, $0x6  }
0x156: {  	v25 =	vshrl.u32 v19, $0x2;
	v29 =	vand.u32 $0x3F, v18;
	v30 =	vshrl.u32 v18, $0x10  }
0x157: {  	v56 =	vshrl.u32 v19, $0xA;
	v18 =	vshrl.u32 v18, $0x18;
	v19 =	vshrl.u32 v19, $0x12  }
0x158: {  	s0 =	sshll.u32 s21, s0;
	v16 =	vld [tilespmem:s30+$0xFFFFFF90];
	v9 =	vsel vm2, $0x1000000, v0;
	v6 =	vor.u32 v3, v5;
	v5 =	vor.u32 v8, v4  }
0x159: {  	v14 =	vld [tilespmem:s30+$0x0];
	v3 =	vmov s0;
	v15 =	vand.u32 $0xFC0, v15;
	v17 =	vand.u32 $0xFC0, v17  }
0x15a: {  	v21 =	vand.u32 $0x3F, v21;
	v23 =	vand.u32 $0xFC0, v23;
	v25 =	vand.u32 $0xFC0, v25  }
0x15b: {  	v10 =	vld [tilespmem:s30+$0xFFFFFFB0];
	v61 =	vand.u32 $0x3F, v30;
	v62 =	vand.u32 $0xFC0, v56;
	v18 =	vand.u32 $0x3F, v18  }
0x15c: {  	v19 =	vand.u32 $0xFC0, v19;
	v4 =	vor.u32 v9, v7;
	v9 =	vshrl.u32 v11, $0x12  }
0x15d: {  	v11 =	vshrl.u32 v11, $0x2;
	v28 =	vshrl.u32 v16, $0xA;
	v9 =	vand.u32 $0xFC0, v9  }
0x15e: {  	v11 =	vand.u32 $0xFC0, v11;
	v58 =	vand.u32 $0xFC0, v28;
	v8 =	vshrl.u32 v14, $0x18  }
0x15f: {  	v12 =	vand.u32 $0x3F, v14;
	v13 =	vshrl.u32 v14, $0x10;
	v14 =	vshrl.u32 v14, $0x8  }
0x160: {  	v20 =	vshll.u32 v10, $0x6;
	v12 =	vor.u32 v17, v12;
	v14 =	vand.u32 $0x3F, v14  }
0x161: {  	v22 =	vshrl.u32 v10, $0x2;
	v12 =	vor.u32 v1, v12;
	v11 =	vor.u32 v14, v11  }
0x162: {  	v31 =	vshrl.u32 v10, $0xA;
	v13 =	vand.u32 $0x3F, v13;
	v11 =	vor.u32 v1, v11  }
0x163: {  	v7 =	vld [tilespmem:s30+$0xFFFFFFA0];
	v10 =	vshrl.u32 v10, $0x12;
	v8 =	vand.u32 $0x3F, v8;
	v13 =	vor.u32 v13, v15  }
0x164: {  	v17 =	vshrl.u32 v16, $0x2;
	v8 =	vor.u32 v8, v9;
	v13 =	vor.u32 v1, v13  }
0x165: {  	v20 =	vand.u32 $0xFC0, v20;
	v22 =	vand.u32 $0xFC0, v22;
	v9 =	vld [tilespmem:s30+$0xFFFFFFE0];
	v8 =	vor.u32 v1, v8  }
0x166: {  	v60 =	vand.u32 $0xFC0, v31;
	v10 =	vand.u32 $0xFC0, v10;
	v14 =	vshll.u32 v16, $0x6;
	v12 =	vld.idx.msk [tilespmem:v12+s13+$0x0], $0xffff  }
0x167: {  	v17 =	vand.u32 $0xFC0, v17;
	v20 =	vor.u32 v20, v29;
	v16 =	vshrl.u32 v16, $0x12;
	v11 =	vld.idx.msk [tilespmem:v11+s13+$0x0], $0xffff  }
0x168: {  	v63 =	vor.u32 v61, v60;
	v15 =	vshrl.u32 v7, $0x8;
	v14 =	vand.u32 $0xFC0, v14  }
0x169: {  	v26 =	vand.u32 $0x3F, v7;
	v27 =	vshrl.u32 v7, $0x10;
	v15 =	vand.u32 $0x3F, v15;
	v13 =	vld.idx.msk [tilespmem:v13+s13+$0x0], $0xffff  }
0x16a: {  	v7 =	vshrl.u32 v7, $0x18;
	v14 =	vor.u32 v14, v26;
	v15 =	vor.u32 v15, v17;
	v8 =	vld.idx.msk [tilespmem:v8+s13+$0x0], $0xffff  }
0x16b: {  	v20 =	vor.u32 v1, v20;
	v14 =	vor.u32 v1, v14;
	v15 =	vor.u32 v1, v15  }
0x16c: {  	v24 =	vshrl.u32 v9, $0x8;
	v12 =	vand.u32 v2, v12;
	v11 =	vand.u32 v2, v11  }
0x16d: {  	v55 =	vand.u32 $0x3F, v9;
	vm0 =	veq.s32 v12, v3;
	vm1 =	veq.s32 v11, v3  }
0x16e: {  	v11 =	vand.u32 v2, v13;
	v12 =	vsel vm0, $0x1, v0;
	v13 =	vsel vm1, $0x100, v0  }
0x16f: {  	v8 =	vand.u32 v2, v8;
	vm0 =	veq.s32 v11, v3;
	v11 =	vor.u32 v12, v13  }
0x170: {  	v12 =	vsel vm0, $0x10000, v0;
	vm0 =	veq.s32 v8, v3;
	v8 =	vor.u32 v21, v22  }
0x171: {  	v24 =	vand.u32 $0x3F, v24;
	v13 =	vor.u32 v23, v55;
	v8 =	vor.u32 v1, v8  }
0x172: {  	v59 =	vand.u32 $0x3F, v27;
	v57 =	vor.u32 v24, v25;
	v13 =	vor.u32 v1, v13  }
0x173: {  	v17 =	vshrl.u32 v9, $0x10;
	v20 =	vld.idx.msk [tilespmem:v20+s13+$0x0], $0xffff;
	v21 =	vor.u32 v1, v57;
	v22 =	vor.u32 v59, v58  }
0x174: {  	v16 =	vand.u32 $0xFC0, v16;
	v17 =	vand.u32 $0x3F, v17;
	v14 =	vld.idx.msk [tilespmem:v14+s13+$0x0], $0xffff;
	v22 =	vor.u32 v1, v22  }
0x175: {  	v7 =	vand.u32 $0x3F, v7;
	v17 =	vor.u32 v17, v62;
	v15 =	vld.idx.msk [tilespmem:v15+s13+$0x0], $0xffff;
	v23 =	vor.u32 v1, v63  }
0x176: {  	v7 =	vor.u32 v7, v16;
	v9 =	vshrl.u32 v9, $0x18;
	v17 =	vor.u32 v1, v17;
	v16 =	vld.idx.msk [tilespmem:v8+s13+$0x0], $0xffff  }
0x177: {  	v8 =	vand.u32 $0x3F, v9;
	v9 =	vor.u32 v18, v10;
	v10 =	vor.u32 v1, v7;
	v13 =	vld.idx.msk [tilespmem:v13+s13+$0x0], $0xffff  }
0x178: {  	v11 =	vor.u32 v12, v11;
	v18 =	vld.idx.msk [tilespmem:v21+s13+$0x0], $0xffff;
	v7 =	vor.u32 v8, v19;
	v12 =	vor.u32 v1, v9  }
0x179: {  	v8 =	vsel vm0, $0x1000000, v0;
	v9 =	vand.u32 v2, v14;
	v19 =	vor.u32 v1, v7;
	v7 =	vld.idx.msk [tilespmem:v22+s13+$0x0], $0xffff  }
0x17a: {  	v14 =	vor.u32 v8, v11;
	vm0 =	veq.s32 v9, v3;
	v9 =	vand.u32 v2, v15;
	v8 =	vld.idx.msk [tilespmem:v23+s13+$0x0], $0xffff  }
0x17b: {  	[tilespmem:s2+$0xFFFFFFE0] =	vst v6;
	v15 =	vand.u32 v2, v20;
	v6 =	vsel vm0, $0x1, v0;
	vm0 =	veq.s32 v9, v3;
	v9 =	vld.idx.msk [tilespmem:v17+s13+$0x0], $0xffff  }
0x17c: {  	[tilespmem:s2+$0xFFFFFFF0] =	vst v5;
	v11 =	vsel vm0, $0x100, v0;
	vm0 =	veq.s32 v15, v3;
	v5 =	vld.idx.msk [tilespmem:v10+s13+$0x0], $0xffff;
	v10 =	vand.u32 v2, v16  }
0x17d: {  	[tilespmem:s2+$0x0] =	vst v4;
	v15 =	vsel vm0, $0x1, v0;
	v4 =	vand.u32 v2, v13;
	vm0 =	veq.s32 v10, v3;
	v10 =	vld.idx.msk [tilespmem:v12+s13+$0x0], $0xffff  }
0x17e: {  	s11 =	sadd.s32 $0x80, s30;
	s0 =	smov.u32 s29;
	s2 =	simm.s32 $0x0;
	[tilespmem:s29+$0x0] =	vst v14;
	v16 =	vsel vm0, $0x100, v0;
	vm0 =	veq.s32 v4, v3;
	v4 =	vand.u32 v2, v18;
	v14 =	vld.idx.msk [tilespmem:v19+s13+$0x0], $0xffff  }
.LBB2_10:
0x17f: {  	v17 =	vld [tilespmem:s11+$0xFFFFFFF0];
	v7 =	vand.u32 v2, v7;
	v18 =	vsel vm0, $0x1, v0;
	vm0 =	veq.s32 v4, v3  }
0x180: {  	v19 =	vld [tilespmem:s11+$0x0];
	vm1 =	veq.s32 v7, v3;
	v7 =	vand.u32 v2, v8;
	v8 =	vsel vm0, $0x100, v0  }
0x181: {  	v4 =	vor.u32 v6, v11;
	v6 =	vand.u32 v2, v9;
	v12 =	vld [tilespmem:s11+$0xFFFFFFA0];
	vm0 =	veq.s32 v7, v3  }
0x182: {  	v20 =	vand.u32 v2, v5;
	v5 =	vor.u32 v15, v16;
	vm2 =	veq.s32 v6, v3;
	v13 =	vld [tilespmem:s11+$0xFFFFFFB0]  }
0x183: {  	v7 =	vsel vm1, $0x10000, v0;
	v6 =	vor.u32 v18, v8;
	v9 =	vand.u32 v2, v10;
	v15 =	vld [tilespmem:s11+$0xFFFFFFC0]  }
0x184: {  	s2 =	sadd.s32 $0x4, s2;
	v8 =	vsel vm0, $0x10000, v0;
	v10 =	vsel vm2, $0x10000, v0;
	v11 =	vand.u32 v2, v14;
	v16 =	vld [tilespmem:s11+$0xFFFFFFD0]  }
0x185: {  	p1 =	slt.u32 s2, $0xC;
	vm0 =	veq.s32 v20, v3;
	v21 =	vshrl.u32 v17, $0x12;
	v14 =	vld [tilespmem:s11+$0xFFFFFFE0];
	v18 =	vshrl.u32 v19, $0x18  }
0x186: {  	v24 =	vshrl.u32 v17, $0xA;
	v22 =	vand.u32 $0x3F, v19;
	v23 =	vshrl.u32 v19, $0x10;
	v20 =	vld [tilespmem:s11+$0xFFFFFF90]  }
0x187: {  	v25 =	vshll.u32 v17, $0x6;
	v17 =	vshrl.u32 v17, $0x2;
	v19 =	vshrl.u32 v19, $0x8  }
0x188: {  	v24 =	vand.u32 $0xFC0, v24;
	v21 =	vand.u32 $0xFC0, v21;
	v18 =	vand.u32 $0x3F, v18  }
0x189: {  	v25 =	vand.u32 $0xFC0, v25;
	v17 =	vand.u32 $0xFC0, v17;
	v18 =	vor.u32 v18, v21  }
0x18a: {  	v19 =	vand.u32 $0x3F, v19;
	v21 =	vor.u32 v25, v22;
	v18 =	vor.u32 v1, v18  }
0x18b: {  	v17 =	vor.u32 v19, v17;
	v19 =	vand.u32 $0x3F, v23;
	v21 =	vor.u32 v1, v21  }
0x18c: {  	v17 =	vor.u32 v1, v17;
	v19 =	vor.u32 v19, v24;
	v22 =	vshll.u32 v20, $0x6  }
0x18d: {  	v23 =	vshrl.u32 v12, $0x8;
	v19 =	vor.u32 v1, v19;
	v24 =	vshrl.u32 v20, $0x2  }
0x18e: {  	v25 =	vshll.u32 v13, $0x6;
	v27 =	vshrl.u32 v13, $0x2;
	v26 =	vshrl.u32 v15, $0x8  }
0x18f: {  	v28 =	vshll.u32 v16, $0x6;
	v30 =	vshrl.u32 v16, $0x2;
	v29 =	vshrl.u32 v14, $0x8;
	v18 =	vld.idx.msk [tilespmem:v18+s13+$0x0], $0xffff  }
0x190: {  	v23 =	vand.u32 $0x3F, v23;
	v22 =	vand.u32 $0xFC0, v22;
	v24 =	vand.u32 $0xFC0, v24;
	v21 =	vld.idx.msk [tilespmem:v21+s13+$0x0], $0xffff  }
0x191: {  	v25 =	vand.u32 $0xFC0, v25;
	v27 =	vand.u32 $0xFC0, v27;
	v26 =	vand.u32 $0x3F, v26;
	v17 =	vld.idx.msk [tilespmem:v17+s13+$0x0], $0xffff  }
0x192: {  	v28 =	vand.u32 $0xFC0, v28;
	v30 =	vand.u32 $0xFC0, v30;
	v29 =	vand.u32 $0x3F, v29;
	v19 =	vld.idx.msk [tilespmem:v19+s13+$0x0], $0xffff  }
0x193: {  	v31 =	vand.u32 $0x3F, v12;
	v32 =	vshrl.u32 v12, $0x10;
	v33 =	vshrl.u32 v20, $0xA  }
0x194: {  	v36 =	vshrl.u32 v13, $0xA;
	v34 =	vand.u32 $0x3F, v15;
	v35 =	vshrl.u32 v15, $0x10  }
0x195: {  	v39 =	vshrl.u32 v16, $0xA;
	v37 =	vand.u32 $0x3F, v14;
	v38 =	vshrl.u32 v14, $0x10  }
0x196: {  	v22 =	vor.u32 v22, v31;
	v23 =	vor.u32 v23, v24;
	v24 =	vor.u32 v25, v34  }
0x197: {  	v18 =	vand.u32 v2, v18;
	v21 =	vand.u32 v2, v21;
	v17 =	vand.u32 v2, v17  }
0x198: {  	vm1 =	veq.s32 v21, v3;
	vm2 =	veq.s32 v17, v3;
	v17 =	vand.u32 v2, v19  }
0x199: {  	v19 =	vsel vm1, $0x1, v0;
	v21 =	vsel vm2, $0x100, v0;
	vm1 =	veq.s32 v17, v3  }
0x19a: {  	v17 =	vor.u32 v19, v21;
	v19 =	vsel vm1, $0x10000, v0;
	vm1 =	veq.s32 v18, v3  }
0x19b: {  	v18 =	vor.u32 v26, v27;
	v17 =	vor.u32 v19, v17;
	v19 =	vsel vm1, $0x1000000, v0  }
0x19c: {  	s29 =	sadd.s32 $0x40, s29;
	v25 =	vor.u32 v29, v30;
	v21 =	vor.u32 v28, v37;
	v17 =	vor.u32 v19, v17  }
0x19d: {  	v26 =	vand.u32 $0x3F, v32;
	v27 =	vand.u32 $0xFC0, v36;
	v19 =	vand.u32 $0xFC0, v33;
	[tilespmem:s29+$0x0] =	vst v17  }
0x19e: {  	v29 =	vand.u32 $0x3F, v38;
	v28 =	vand.u32 $0xFC0, v39;
	v17 =	vand.u32 $0x3F, v35  }
0x19f: {  	v12 =	vshrl.u32 v12, $0x18;
	v15 =	vshrl.u32 v15, $0x18;
	v20 =	vshrl.u32 v20, $0x12  }
0x1a0: {  	v13 =	vshrl.u32 v13, $0x12;
	v16 =	vshrl.u32 v16, $0x12;
	v14 =	vshrl.u32 v14, $0x18  }
0x1a1: {  	v22 =	vor.u32 v1, v22;
	v23 =	vor.u32 v1, v23;
	v24 =	vor.u32 v1, v24  }
0x1a2: {  	v25 =	vor.u32 v1, v25;
	v18 =	vor.u32 v1, v18;
	v21 =	vor.u32 v1, v21  }
0x1a3: {  	v19 =	vor.u32 v26, v19;
	v26 =	vor.u32 v29, v28;
	v17 =	vor.u32 v17, v27  }
0x1a4: {  	v12 =	vand.u32 $0x3F, v12;
	v13 =	vand.u32 $0xFC0, v13;
	v20 =	vand.u32 $0xFC0, v20  }
0x1a5: {  	v15 =	vand.u32 $0x3F, v15;
	v16 =	vand.u32 $0xFC0, v16;
	v14 =	vand.u32 $0x3F, v14  }
0x1a6: {  	v19 =	vor.u32 v1, v19;
	v26 =	vor.u32 v1, v26;
	v17 =	vor.u32 v1, v17;
	v22 =	vld.idx.msk [tilespmem:v22+s13+$0x0], $0xffff  }
0x1a7: {  	v13 =	vor.u32 v15, v13;
	v14 =	vor.u32 v14, v16;
	v12 =	vor.u32 v12, v20;
	v23 =	vld.idx.msk [tilespmem:v23+s13+$0x0], $0xffff  }
0x1a8: {  	v13 =	vor.u32 v1, v13;
	v14 =	vor.u32 v1, v14;
	v12 =	vor.u32 v1, v12;
	v15 =	vld.idx.msk [tilespmem:v24+s13+$0x0], $0xffff  }
0x1a9: {  	v4 =	vor.u32 v7, v4;
	vm2 =	veq.s32 v11, v3;
	vm1 =	veq.s32 v9, v3;
	v16 =	vld.idx.msk [tilespmem:v18+s13+$0x0], $0xffff  }
0x1aa: {  	v7 =	vsel vm0, $0x1000000, v0;
	v5 =	vor.u32 v8, v5;
	v6 =	vor.u32 v10, v6;
	v18 =	vld.idx.msk [tilespmem:v21+s13+$0x0], $0xffff  }
0x1ab: {  	v4 =	vor.u32 v7, v4;
	v9 =	vsel vm2, $0x1000000, v0;
	v8 =	vsel vm1, $0x1000000, v0;
	v20 =	vld.idx.msk [tilespmem:v25+s13+$0x0], $0xffff  }
0x1ac: {  	v5 =	vor.u32 v8, v5;
	v10 =	vand.u32 v2, v22;
	v7 =	vld.idx.msk [tilespmem:v19+s13+$0x0], $0xffff;
	v19 =	vor.u32 v9, v6  }
.Ltmp3:
0x1ad: {  	vm0 =	veq.s32 v10, v3;
	v9 =	vand.u32 v2, v23;
	v8 =	vld.idx.msk [tilespmem:v17+s13+$0x0], $0xffff;
	[tilespmem:s0+$0xFFFFFFD0] =	vst v4;
	(pc) =	sbr.rel @p1 .LBB2_10-.Ltmp3, $4  }
0x1ae: {  	v6 =	vsel vm0, $0x1, v0;
	vm0 =	veq.s32 v9, v3;
	v4 =	vand.u32 v2, v15;
	v9 =	vld.idx.msk [tilespmem:v26+s13+$0x0], $0xffff;
	[tilespmem:s0+$0xFFFFFFE0] =	vst v5  }
0x1af: {  	v11 =	vsel vm0, $0x100, v0;
	vm0 =	veq.s32 v4, v3;
	v4 =	vand.u32 v2, v16;
	v5 =	vld.idx.msk [tilespmem:v12+s13+$0x0], $0xffff;
	[tilespmem:s0+$0xFFFFFFF0] =	vst v19;
	s0 =	smov.u32 s29  }
0x1b0: {  	v15 =	vsel vm0, $0x1, v0;
	vm0 =	veq.s32 v4, v3;
	v4 =	vand.u32 v2, v18;
	v10 =	vld.idx.msk [tilespmem:v13+s13+$0x0], $0xffff  }
0x1b1: {  	s11 =	sadd.s32 $0x80, s11;
	v16 =	vsel vm0, $0x100, v0;
	vm0 =	veq.s32 v4, v3;
	v4 =	vand.u32 v2, v20;
	v14 =	vld.idx.msk [tilespmem:v14+s13+$0x0], $0xffff  }
0x1b2: {  	v1 =	vand.u32 v2, v7;
	v58 =	vsel vm0, $0x1, v0  }
0x1b3: {  	vm11 =	veq.s32 v4, v3;
	v6 =	vor.u32 v6, v11;
	v59 =	vor.u32 v15, v16  }
0x1b4: {  	vm1 =	veq.s32 v1, v3;
	v1 =	vand.u32 v2, v8;
	v4 =	vsel vm11, $0x100, v0  }
0x1b5: {  	vm12 =	veq.s32 v1, v3;
	v1 =	vand.u32 v2, v9;
	v5 =	vand.u32 v2, v5  }
0x1b6: {  	v4 =	vor.u32 v58, v4;
	vm2 =	veq.s32 v1, v3;
	v1 =	vsel vm1, $0x10000, v0  }
0x1b7: {  	v60 =	vand.u32 v2, v10;
	v61 =	vsel vm12, $0x10000, v0;
	vm13 =	veq.s32 v5, v3  }
0x1b8: {  	p1 =	slt.u32 s28, $0x1E;
	v62 =	vsel vm2, $0x10000, v0;
	v2 =	vand.u32 v2, v14;
	v1 =	vor.u32 v1, v6  }
.Ltmp4:
0x1b9: {  	vm14 =	veq.s32 v60, v3;
	vm15 =	veq.s32 v2, v3;
	v2 =	vsel vm13, $0x1000000, v0;
	(pc) =	sbr.rel @p1 .LBB2_7-.Ltmp4, $4  }
0x1ba: {  	v3 =	vor.u32 v61, v59;
	v1 =	vor.u32 v2, v1;
	v2 =	vsel vm14, $0x1000000, v0  }
0x1bb: {  	v4 =	vor.u32 v62, v4;
	v63 =	vsel vm15, $0x1000000, v0;
	v2 =	vor.u32 v2, v3;
	[tilespmem:s0+$0xFFFFFFD0] =	vst v1  }
0x1bc: {  	v1 =	vor.u32 v63, v4;
	[tilespmem:s0+$0xFFFFFFE0] =	vst v2  }
0x1bd: {  	s28 =	sadd.s32 $0x2, s28;
	p0 =	por !p0, !p0;
	[tilespmem:s0+$0xFFFFFFF0] =	vst v1  }
0x1be: {  	s25 =	sadd.s32 $0x1, s25  }
0x1bf: {  	s0 =	sshll.u32 s26, $0x5;
	p0 =	sne.s32 s25, $0x4  }
.Ltmp5:
0x1c0: {  	s0 =	sadd.s32 s0, s9;
	(pc) =	sbr.rel @p0 .LBB2_6-.Ltmp5, $4  }
0x1c1: {  	[hbm4b:s0+s18] =	stream.strided.scatter [tilespmem:s23], [sflag:$0x1], $0x2000, s22, s18, $0x38;
	[tilespmem:$0x1E000] =	vst v63  }
0x1c2: {  	_ =	swait.ge [sflag:s14], $0x2000  }
0x1c3: {  	[sflag:s14] =	ssyncset.done $0x0  }
0x1c4: {  	[sflag:s14] =	ssyncadd.s32 $0xFFFFE000  }
0x1c5: {  	s3 =	sadd.s32 $0x1, s3  }
0x1c6: {  	p0 =	sne.s32 s3, s10  }
.Ltmp6:
0x1c7: {  	_ = 	snop;
	(pc) =	sbr.rel @p0 .LBB2_1-.Ltmp6, $1  }
0x1c8: {  	_ =	sdelay $0x3  }
0x1c9: {  	_ =	sfence.sel $0x180000  }
0x1ca: {  	[bflag:$0x0] =	sbarrier.arrive $0xFFFF  }
0x1cb: {  	_ =	strace $0x90000047  }
0x1cc: {  	s0 =	stileid.u32;
	[bflag:$0x2] =	sbarrier.arrive $0xFFFF  }
0x1cd: {  	p0 =	sne.s32 s0, $0x0;
	s0 =	rddreg [dreg:$0x3]  }
0x1ce: {  	s0 =	sadd.s32 @!p0 $0x100000, s0  }
0x1cf: {  	[sflag:s0] =	ssyncadd.tile.s32 @!p0 $0x1;
	_ =	shalt  }
.Lfunc_end2:
_tile_overlayer_lowered:
.L_overlay_start_2:
0x1d0: {  	(tag) =	ssettag $0x2  }
0x1d1: {  	s0 =	rddreg [dreg:$0x0];
	s2 =	stileid.u32  }
0x1d2: {  	s1 =	rddreg [dreg:$0x1];
	p0 =	sne.s32 s2, $0x0  }
0x1d3: {  	s3 =	rddreg [dreg:$0x2];
	[bflag:$0x3] =	sbarrier.arrive $0xFFFF;
	s2 =	simm.s32 @!p0 $0x1C01  }
0x1d4: {  	[timem:s3], [sflag:s2] =	dma.local @!p0 [hbm:s0], s1  }
0x1d5: {  	s0 =	simm.s32 @!p0 $0x1  }
0x1d6: {  	_ =	swait.ge @!p0 [sflag:s0], s1  }
0x1d7: {  	s1 =	ssub.s32 @!p0 $0x0, s1;
	[sflag:s0] =	ssyncset.done @!p0 $0x0  }
0x1d8: {  	[sflag:s0] =	ssyncadd.s32 @!p0 s1  }
0x1d9: {  	[bflag:$0x3] =	sbarrier.arrive $0xFFFF  }
0x1da: {  	_ =	shalt  }

</sc_bundles>
